<compile_context>
chip_gen: v7x
topology: tpu7x:2x2x1
jax: 0.10.2.dev20260603
libtpu: 0.0.44.dev20260713+nightly
codegen_flags: <defaults>
</compile_context>

<pallas_src>
import functools

import jax
import jax.numpy as jnp
from jax import lax
from jax.experimental import pallas as pl
from jax.experimental.pallas import tpu as pltpu
from jax.experimental.pallas import tpu_sc as plsc

VOCAB = 8192
ZC = 32
N_TOK = 8192
TB = 1024
K1_GRID = N_TOK // TB
BLK_PER_BATCH = 1024 // TB
NW = 32
BPW = N_TOK // NW
ROWS_PER_WIDE = 128 // ZC
MARGIN = 1.0 * (N_TOK * ZC / ZC) / VOCAB * 0.08


def _k1_body(z_ref, emb_ref, idx_ref, embn_ref, e2_ref):
    i = pl.program_id(0)

    @pl.when(i == 0)
    def _():
        e = emb_ref[...]
        n = jnp.sqrt(jnp.sum(e * e, axis=1, keepdims=True))
        en = e / jnp.maximum(n, 1e-12)
        embn_ref[...] = (-2.0 * en).astype(jnp.bfloat16)
        e2_ref[...] = jnp.sum(en * en, axis=1, keepdims=True)

    zb = z_ref[0]
    zn = zb / jnp.maximum(jnp.sqrt(jnp.sum(zb * zb, axis=0, keepdims=True)), 1e-12)
    s2 = lax.dot_general(embn_ref[...], zn.astype(jnp.bfloat16),
                         (((1,), (0,)), ((), ())),
                         preferred_element_type=jnp.float32)
    d = e2_ref[...] + s2
    idx_ref[0, 0, :] = jnp.argmin(d, axis=0).astype(jnp.int32)


def _k1(z3, emb):
    return pl.pallas_call(
        _k1_body,
        grid=(K1_GRID,),
        in_specs=[
            pl.BlockSpec((1, ZC, TB),
                         lambda i: (i // BLK_PER_BATCH, 0, i % BLK_PER_BATCH)),
            pl.BlockSpec((VOCAB, ZC), lambda i: (0, 0)),
        ],
        out_specs=pl.BlockSpec((1, 1, TB), lambda i: (i, 0, 0)),
        out_shape=jax.ShapeDtypeStruct((K1_GRID, 1, TB), jnp.int32),
        scratch_shapes=[
            pltpu.VMEM((VOCAB, ZC), jnp.bfloat16),
            pltpu.VMEM((VOCAB, 1), jnp.float32),
        ],
    )(z3, emb)


def _k2_body(idx_hbm, emb_hbm, zqt_hbm, hist_hbm,
             idx_v, ridx_v, rows_v, zqt_v, hist_v, sem):
    wid = lax.axis_index("s") * 2 + lax.axis_index("c")
    base = wid * BPW
    pltpu.sync_copy(idx_hbm.at[pl.ds(base, BPW)], idx_v)

    def _shift(j, c):
        ridx_v[pl.ds(j * 16, 16)] = lax.shift_right_logical(
            idx_v[pl.ds(j * 16, 16)], 2)
        return c
    lax.fori_loop(0, BPW // 16, _shift, 0)

    for k in range(BPW // 128):
        pltpu.async_copy(emb_hbm.at[ridx_v.at[pl.ds(k * 128, 128)]],
                         rows_v.at[pl.ds(k * 128, 128)], sem).wait()

    lanes = lax.iota(jnp.int32, 16)

    def _sel(j, c):
        rowv = lanes + j * 16
        rem = idx_v[pl.ds(j * 16, 16)] & 3
        colbase = rem * 32
        for ch in range(ZC):
            vals = plsc.load_gather(rows_v, [rowv, colbase + ch])
            zqt_v[ch, pl.ds(j * 16, 16)] = vals
        return c
    lax.fori_loop(0, BPW // 16, _sel, 0)
    pltpu.sync_copy(zqt_v, zqt_hbm.at[:, pl.ds(base, BPW)])

    def _zero(j, c):
        hist_v[pl.ds(j * 16, 16)] = jnp.zeros((16,), jnp.float32)
        return c
    lax.fori_loop(0, VOCAB // 16, _zero, 0)
    ones = jnp.ones((16,), jnp.float32)

    def _hist(j, c):
        iv = idx_v[pl.ds(j * 16, 16)]
        plsc.addupdate_scatter(hist_v, [iv], ones)
        return c
    lax.fori_loop(0, BPW // 16, _hist, 0)
    pltpu.sync_copy(hist_v, hist_hbm.at[wid])


def _k2(idx, emb128):
    mesh = plsc.VectorSubcoreMesh(core_axis_name="c", subcore_axis_name="s")
    f = functools.partial(
        pl.kernel,
        out_type=[
            jax.ShapeDtypeStruct((ZC, N_TOK), jnp.float32),
            jax.ShapeDtypeStruct((NW, VOCAB), jnp.float32),
        ],
        mesh=mesh,
        scratch_types=[
            pltpu.VMEM((BPW,), jnp.int32),
            pltpu.VMEM((BPW,), jnp.int32),
            pltpu.VMEM((BPW, 128), jnp.float32),
            pltpu.VMEM((ZC, BPW), jnp.float32),
            pltpu.VMEM((VOCAB,), jnp.float32),
            pltpu.SemaphoreType.DMA,
        ],
        compiler_params=pltpu.CompilerParams(needs_layout_passes=False),
    )(_k2_body)
    return f(idx, emb128)


def _k3_body(z_ref, zqt_ref, hist_ref,
             o_ref, us_ref, vq_ref, cl_ref, acc_ref):
    i = pl.program_id(0)
    zb = z_ref[0]
    zn = zb / jnp.maximum(jnp.sqrt(jnp.sum(zb * zb, axis=0, keepdims=True)), 1e-12)
    q = zqt_ref[...]
    qn = q / jnp.maximum(jnp.sqrt(jnp.sum(q * q, axis=0, keepdims=True)), 1e-12)
    diff = qn - zn
    o_ref[0] = zn + diff
    part = jnp.sum(diff * diff)

    @pl.when(i == 0)
    def _():
        acc_ref[0] = part

    @pl.when(i > 0)
    def _():
        acc_ref[0] = acc_ref[0] + part

    @pl.when(i == pl.num_programs(0) - 1)
    def _():
        m = acc_ref[0] / jnp.float32(N_TOK * ZC)
        vq_ref[...] = m.reshape(1, 1)
        cl_ref[...] = (jnp.float32(0.25) * m).reshape(1, 1)
        hit = jnp.sum(hist_ref[...], axis=0)
        used = (hit >= MARGIN).astype(jnp.float32)
        us_ref[...] = (jnp.mean(used) * 100.0).reshape(1, 1)


def _k3(z3, zqt, hist):
    return pl.pallas_call(
        _k3_body,
        grid=(8,),
        in_specs=[
            pl.BlockSpec((1, ZC, 1024), lambda i: (i, 0, 0)),
            pl.BlockSpec((ZC, 1024), lambda i: (0, i)),
            pl.BlockSpec((NW, VOCAB), lambda i: (0, 0)),
        ],
        out_specs=[
            pl.BlockSpec((1, ZC, 1024), lambda i: (i, 0, 0)),
            pl.BlockSpec((1, 1), lambda i: (0, 0)),
            pl.BlockSpec((1, 1), lambda i: (0, 0)),
            pl.BlockSpec((1, 1), lambda i: (0, 0)),
        ],
        out_shape=[
            jax.ShapeDtypeStruct((8, ZC, 1024), jnp.float32),
            jax.ShapeDtypeStruct((1, 1), jnp.float32),
            jax.ShapeDtypeStruct((1, 1), jnp.float32),
            jax.ShapeDtypeStruct((1, 1), jnp.float32),
        ],
        scratch_shapes=[pltpu.SMEM((1,), jnp.float32)],
    )(z3, zqt, hist)


def kernel(z, embedding):
    z3 = z.reshape(8, ZC, 1024)
    idx = _k1(z3, embedding).reshape(N_TOK)
    emb128 = embedding.reshape(VOCAB // ROWS_PER_WIDE, 128)
    zqt, hist = _k2(idx, emb128)
    zq_out, usage, vq, cl = _k3(z3, zqt, hist)
    return (zq_out.reshape(8, ZC, 32, 32), usage[0, 0], vq[0, 0], cl[0, 0])

# --- scband reference (transcript-rebuilt; emitter-appended) ---
"""Pipeline reference for scband-vector-quantizer-36378372997743 (READ-ONLY COPY).

The authoritative reference and input builder live on the scoring server;
editing this copy changes nothing except your own understanding.
"""

import jax, jax.numpy as jnp
import numpy as np

VOCAB = 8192
ZC = 32
BETA = 0.25


def _l2norm(x):
    n = jnp.sqrt(jnp.sum(x * x, axis=-1, keepdims=True))
    return x / jnp.maximum(n, 1e-12)


def setup_inputs(seed: int = 0) -> dict:
    key = jax.random.key(seed)
    k1, k2 = jax.random.split(key)
    z = jax.random.normal(k1, (8, 32, 32, 32), dtype=jnp.float32)
    emb = jax.random.uniform(k2, (VOCAB, ZC), minval=-1.0 / VOCAB, maxval=1.0 / VOCAB, dtype=jnp.float32)
    emb = _l2norm(emb)  # codebook_norm init
    return {"z": z, "embedding": emb}


def reference(z, embedding):
    # b c h w -> b h w c
    zt = jnp.transpose(z, (0, 2, 3, 1))
    z_flat = zt.reshape(-1, ZC)
    # codebook_norm=True path
    zt = _l2norm(zt)
    z_flat = _l2norm(z_flat)
    emb_n = _l2norm(embedding)
    # squared L2 distances to all codes
    d = (jnp.sum(z_flat ** 2, axis=1, keepdims=True)
         + jnp.sum(emb_n ** 2, axis=1)
         - 2.0 * (z_flat @ emb_n.T))
    min_encoding_indices = jnp.argmin(d, axis=1)
    z_q = jnp.take(embedding, min_encoding_indices, axis=0).reshape(zt.shape)
    z_q = _l2norm(z_q)
    # usage stats (single device: world_size=1, record_hit==0 -> ema = hit)
    hit_V = jnp.bincount(min_encoding_indices, length=VOCAB).astype(jnp.float32)
    ema = hit_V
    margin = 1.0 * (zt.size / ZC) / VOCAB * 0.08
    codebook_usage = jnp.mean((ema >= margin).astype(jnp.float32)) * 100.0
    commit_loss = BETA * jnp.mean((jax.lax.stop_gradient(z_q) - zt) ** 2)
    vq_loss = jnp.mean((z_q - jax.lax.stop_gradient(zt)) ** 2)
    # straight-through
    z_q = zt + jax.lax.stop_gradient(z_q - zt)
    # b h w c -> b c h w
    z_q = jnp.transpose(z_q, (0, 3, 1, 2))
    return (z_q, codebook_usage, vq_loss, commit_loss)

if __name__ == "__main__":
    import jax
    _d = setup_inputs()
    print(jax.jit(kernel)(*tuple(_d.values())))

</pallas_src>

<mosaic_0001>
#map = affine_map<(d0, d1) -> (0)>
#map1 = affine_map<(d0, d1) -> (0, 0)>
module attributes {stable_mosaic.version = 14 : i64} {
  func.func @_k2_body(%arg0: i32, %arg1: i32, %arg2: memref<8192xi32, #tpu.memory_space<hbm>>, %arg3: memref<2048x128xf32, #tpu.memory_space<hbm>>, %arg4: memref<32x8192xf32, #tpu.memory_space<hbm>>, %arg5: memref<32x8192xf32, #tpu.memory_space<hbm>>, %arg6: memref<256xi32, #tpu.memory_space<vmem>>, %arg7: memref<256xi32, #tpu.memory_space<vmem>>, %arg8: memref<256x128xf32, #tpu.memory_space<vmem>>, %arg9: memref<32x256xf32, #tpu.memory_space<vmem>>, %arg10: memref<8192xf32, #tpu.memory_space<vmem>>, %arg11: memref<!tpu.dma_semaphore, #tpu.memory_space<semaphore_mem>>) attributes {dimension_semantics = [#tpu.dimension_semantics<core_parallel>, #tpu.dimension_semantics<subcore_parallel>], iteration_bounds = array<i64: 2, 16>, scalar_prefetch = 0 : i64, scratch_operands = 6 : i64, tpu.core_type = #tpu.core_type<sc_vector_subcore>, window_params = [{transform_indices = #map}, {transform_indices = #map1}, {transform_indices = #map1}, {transform_indices = #map1}]} {
    %mul3A = arith.constant 2 : i32
    %mul3A_0 = arith.muli %arg1, %mul3A : i32
    %add3A = arith.addi %mul3A_0, %arg0 : i32
    %mul3A_1 = arith.constant 256 : i32
    %mul3A_2 = arith.muli %add3A, %mul3A_1 : i32
    "tpu.region"() ({
      %run_scoped3A = tpu.sem_alloc : memref<!tpu.dma_semaphore, #tpu.memory_space<semaphore_mem>>
      %dma_start3A_57 = tpu.memref_slice %arg2[%mul3A_2] : memref<8192xi32, #tpu.memory_space<hbm>> -> memref<256xi32, #tpu.memory_space<hbm>>
      %dma_start3A_58 = tpu.memref_slice %arg2[%mul3A_2] : memref<8192xi32, #tpu.memory_space<hbm>> -> memref<256xi32, #tpu.memory_space<hbm>>
      tpu.enqueue_dma source(%dma_start3A_58 : memref<256xi32, #tpu.memory_space<hbm>>) target(%arg6 : memref<256xi32, #tpu.memory_space<vmem>>) target_semaphore(%run_scoped3A : memref<!tpu.dma_semaphore, #tpu.memory_space<semaphore_mem>>)
      %dma_wait3A_59 = tpu.memref_slice %arg2[%mul3A_2] : memref<8192xi32, #tpu.memory_space<hbm>> -> memref<256xi32, #tpu.memory_space<hbm>>
      %dma_wait3A_60 = tpu.memref_slice %arg2[%mul3A_2] : memref<8192xi32, #tpu.memory_space<hbm>> -> memref<256xi32, #tpu.memory_space<hbm>>
      tpu.wait_dma2 semaphore(%run_scoped3A : memref<!tpu.dma_semaphore, #tpu.memory_space<semaphore_mem>>) src(%dma_wait3A_60 : memref<256xi32, #tpu.memory_space<hbm>>) dst(%arg6 : memref<256xi32, #tpu.memory_space<vmem>>)
      tpu.yield
    }) : () -> ()
    %scan3A = arith.constant 0 : i32
    %scan3A_3 = arith.constant 0 : i32
    %scan3A_4 = arith.constant 16 : i32
    %scan3A_5 = arith.addi %scan3A_3, %scan3A_4 : i32
    %scan3A_6 = arith.constant 1 : i32
    scf.for %scan3A_57 = %scan3A_3 to %scan3A_5 step %scan3A_6  : i32 {
      %mul3A_58 = arith.constant 16 : i32
      %mul3A_59 = arith.muli %scan3A_57, %mul3A_58 : i32
      %get3A = arith.index_cast %mul3A_59 : i32 to index
      %get3A_60 = tpu.vector_load %arg6[%get3A] {strides = array<i32>} : memref<256xi32, #tpu.memory_space<vmem>>, vector<16xi32>,
      %shift_right_logical3A = arith.constant 2 : i32
      %shift_right_logical3A_61 = vector.broadcast %shift_right_logical3A : i32 to vector<16xi32>
      %shift_right_logical3A_62 = arith.shrui %get3A_60, %shift_right_logical3A_61 : vector<16xi32>
      %mul3A_63 = arith.constant 16 : i32
      %mul3A_64 = arith.muli %scan3A_57, %mul3A_63 : i32
      %swap3A = arith.index_cast %mul3A_64 : i32 to index
      %swap3A_65 = tpu.vector_load %arg7[%swap3A] {strides = array<i32>} : memref<256xi32, #tpu.memory_space<vmem>>, vector<16xi32>,
      tpu.vector_store %arg7[%swap3A], %shift_right_logical3A_62 {strides = array<i32>} : memref<256xi32, #tpu.memory_space<vmem>>, vector<16xi32>,
    }
    %scan3A_7 = arith.constant 16 : i32
    %dma_start3A = arith.constant 0 : i32
    %dma_start3A_8 = arith.constant 0 : i32
    %dma_start3A_9 = tpu.memref_slice %arg8[%dma_start3A, %dma_start3A_8] : memref<256x128xf32, #tpu.memory_space<vmem>> -> memref<128x128xf32, #tpu.memory_space<vmem>>
    %dma_start3A_10 = arith.constant 0 : i32
    %dma_start3A_11 = tpu.memref_slice %arg7[%dma_start3A_10] : memref<256xi32, #tpu.memory_space<vmem>> -> memref<128xi32, #tpu.memory_space<vmem>>
    %dma_start3A_12 = arith.constant 0 : i32
    %dma_start3A_13 = arith.constant 0 : i32
    %dma_start3A_14 = tpu.memref_slice %arg3[%dma_start3A_12, %dma_start3A_13] : memref<2048x128xf32, #tpu.memory_space<hbm>> -> memref<2048x128xf32, #tpu.memory_space<hbm>>
    tpu.enqueue_indirect_dma source(%dma_start3A_14 : memref<2048x128xf32, #tpu.memory_space<hbm>>) target(%dma_start3A_9 : memref<128x128xf32, #tpu.memory_space<vmem>>) offsets(%dma_start3A_11 : memref<128xi32, #tpu.memory_space<vmem>>) semaphore(%arg11 : memref<!tpu.dma_semaphore, #tpu.memory_space<semaphore_mem>>)
    %dma_wait3A = arith.constant 0 : i32
    %dma_wait3A_15 = arith.constant 0 : i32
    %dma_wait3A_16 = tpu.memref_slice %arg8[%dma_wait3A, %dma_wait3A_15] : memref<256x128xf32, #tpu.memory_space<vmem>> -> memref<128x128xf32, #tpu.memory_space<vmem>>
    %dma_wait3A_17 = arith.constant 0 : i32
    %dma_wait3A_18 = tpu.memref_slice %arg7[%dma_wait3A_17] : memref<256xi32, #tpu.memory_space<vmem>> -> memref<128xi32, #tpu.memory_space<vmem>>
    %dma_wait3A_19 = arith.constant 0 : i32
    %dma_wait3A_20 = arith.constant 0 : i32
    %dma_wait3A_21 = tpu.memref_slice %arg3[%dma_wait3A_19, %dma_wait3A_20] : memref<2048x128xf32, #tpu.memory_space<hbm>> -> memref<2048x128xf32, #tpu.memory_space<hbm>>
    tpu.wait_indirect_dma semaphore(%arg11 : memref<!tpu.dma_semaphore, #tpu.memory_space<semaphore_mem>>) src(%dma_wait3A_21 : memref<2048x128xf32, #tpu.memory_space<hbm>>) dst(%dma_wait3A_16 : memref<128x128xf32, #tpu.memory_space<vmem>>)
    %dma_start3A_22 = arith.constant 128 : i32
    %dma_start3A_23 = arith.constant 0 : i32
    %dma_start3A_24 = tpu.memref_slice %arg8[%dma_start3A_22, %dma_start3A_23] : memref<256x128xf32, #tpu.memory_space<vmem>> -> memref<128x128xf32, #tpu.memory_space<vmem>>
    %dma_start3A_25 = arith.constant 128 : i32
    %dma_start3A_26 = tpu.memref_slice %arg7[%dma_start3A_25] : memref<256xi32, #tpu.memory_space<vmem>> -> memref<128xi32, #tpu.memory_space<vmem>>
    %dma_start3A_27 = arith.constant 0 : i32
    %dma_start3A_28 = arith.constant 0 : i32
    %dma_start3A_29 = tpu.memref_slice %arg3[%dma_start3A_27, %dma_start3A_28] : memref<2048x128xf32, #tpu.memory_space<hbm>> -> memref<2048x128xf32, #tpu.memory_space<hbm>>
    tpu.enqueue_indirect_dma source(%dma_start3A_29 : memref<2048x128xf32, #tpu.memory_space<hbm>>) target(%dma_start3A_24 : memref<128x128xf32, #tpu.memory_space<vmem>>) offsets(%dma_start3A_26 : memref<128xi32, #tpu.memory_space<vmem>>) semaphore(%arg11 : memref<!tpu.dma_semaphore, #tpu.memory_space<semaphore_mem>>)
    %dma_wait3A_30 = arith.constant 128 : i32
    %dma_wait3A_31 = arith.constant 0 : i32
    %dma_wait3A_32 = tpu.memref_slice %arg8[%dma_wait3A_30, %dma_wait3A_31] : memref<256x128xf32, #tpu.memory_space<vmem>> -> memref<128x128xf32, #tpu.memory_space<vmem>>
    %dma_wait3A_33 = arith.constant 128 : i32
    %dma_wait3A_34 = tpu.memref_slice %arg7[%dma_wait3A_33] : memref<256xi32, #tpu.memory_space<vmem>> -> memref<128xi32, #tpu.memory_space<vmem>>
    %dma_wait3A_35 = arith.constant 0 : i32
    %dma_wait3A_36 = arith.constant 0 : i32
    %dma_wait3A_37 = tpu.memref_slice %arg3[%dma_wait3A_35, %dma_wait3A_36] : memref<2048x128xf32, #tpu.memory_space<hbm>> -> memref<2048x128xf32, #tpu.memory_space<hbm>>
    tpu.wait_indirect_dma semaphore(%arg11 : memref<!tpu.dma_semaphore, #tpu.memory_space<semaphore_mem>>) src(%dma_wait3A_37 : memref<2048x128xf32, #tpu.memory_space<hbm>>) dst(%dma_wait3A_32 : memref<128x128xf32, #tpu.memory_space<vmem>>)
    %iota3A = tpu.iota {dimensions = array<i32: 0>} : vector<16xi32>
    %scan3A_38 = arith.constant 0 : i32
    %scan3A_39 = arith.constant 0 : i32
    %scan3A_40 = arith.constant 16 : i32
    %scan3A_41 = arith.addi %scan3A_39, %scan3A_40 : i32
    %scan3A_42 = arith.constant 1 : i32
    scf.for %scan3A_57 = %scan3A_39 to %scan3A_41 step %scan3A_42  : i32 {
      %mul3A_58 = arith.constant 16 : i32
      %mul3A_59 = arith.muli %scan3A_57, %mul3A_58 : i32
      %add3A_60 = vector.broadcast %mul3A_59 : i32 to vector<16xi32>
      %add3A_61 = arith.addi %iota3A, %add3A_60 : vector<16xi32>
      %mul3A_62 = arith.constant 16 : i32
      %mul3A_63 = arith.muli %scan3A_57, %mul3A_62 : i32
      %get3A = arith.index_cast %mul3A_63 : i32 to index
      %get3A_64 = tpu.vector_load %arg6[%get3A] {strides = array<i32>} : memref<256xi32, #tpu.memory_space<vmem>>, vector<16xi32>,
      %and3A = arith.constant 3 : i32
      %and3A_65 = vector.broadcast %and3A : i32 to vector<16xi32>
      %and3A_66 = arith.andi %get3A_64, %and3A_65 : vector<16xi32>
      %mul3A_67 = arith.constant 32 : i32
      %mul3A_68 = vector.broadcast %mul3A_67 : i32 to vector<16xi32>
      %mul3A_69 = arith.muli %and3A_66, %mul3A_68 : vector<16xi32>
      %add3A_70 = arith.constant 0 : i32
      %add3A_71 = vector.broadcast %add3A_70 : i32 to vector<16xi32>
      %add3A_72 = arith.addi %mul3A_69, %add3A_71 : vector<16xi32>
      %gather3A = tpu.vector_load_idx %arg8[%add3A_61, %add3A_72] : memref<256x128xf32, #tpu.memory_space<vmem>>[vector<16xi32>, vector<16xi32>], vector<16xf32>,
      %mul3A_73 = arith.constant 16 : i32
      %mul3A_74 = arith.muli %scan3A_57, %mul3A_73 : i32
      %swap3A = arith.constant 0 : i32
      %swap3A_75 = arith.index_cast %swap3A : i32 to index
      %swap3A_76 = arith.index_cast %mul3A_74 : i32 to index
      %swap3A_77 = tpu.vector_load %arg9[%swap3A_75, %swap3A_76] {strides = array<i32>} : memref<32x256xf32, #tpu.memory_space<vmem>>, vector<16xf32>,
      tpu.vector_store %arg9[%swap3A_75, %swap3A_76], %gather3A {strides = array<i32>} : memref<32x256xf32, #tpu.memory_space<vmem>>, vector<16xf32>,
      %add3A_78 = arith.constant 1 : i32
      %add3A_79 = vector.broadcast %add3A_78 : i32 to vector<16xi32>
      %add3A_80 = arith.addi %mul3A_69, %add3A_79 : vector<16xi32>
      %gather3A_81 = tpu.vector_load_idx %arg8[%add3A_61, %add3A_80] : memref<256x128xf32, #tpu.memory_space<vmem>>[vector<16xi32>, vector<16xi32>], vector<16xf32>,
      %mul3A_82 = arith.constant 16 : i32
      %mul3A_83 = arith.muli %scan3A_57, %mul3A_82 : i32
      %swap3A_84 = arith.constant 1 : i32
      %swap3A_85 = arith.index_cast %swap3A_84 : i32 to index
      %swap3A_86 = arith.index_cast %mul3A_83 : i32 to index
      %swap3A_87 = tpu.vector_load %arg9[%swap3A_85, %swap3A_86] {strides = array<i32>} : memref<32x256xf32, #tpu.memory_space<vmem>>, vector<16xf32>,
      tpu.vector_store %arg9[%swap3A_85, %swap3A_86], %gather3A_81 {strides = array<i32>} : memref<32x256xf32, #tpu.memory_space<vmem>>, vector<16xf32>,
      %add3A_88 = arith.constant 2 : i32
      %add3A_89 = vector.broadcast %add3A_88 : i32 to vector<16xi32>
      %add3A_90 = arith.addi %mul3A_69, %add3A_89 : vector<16xi32>
      %gather3A_91 = tpu.vector_load_idx %arg8[%add3A_61, %add3A_90] : memref<256x128xf32, #tpu.memory_space<vmem>>[vector<16xi32>, vector<16xi32>], vector<16xf32>,
      %mul3A_92 = arith.constant 16 : i32
      %mul3A_93 = arith.muli %scan3A_57, %mul3A_92 : i32
      %swap3A_94 = arith.constant 2 : i32
      %swap3A_95 = arith.index_cast %swap3A_94 : i32 to index
      %swap3A_96 = arith.index_cast %mul3A_93 : i32 to index
      %swap3A_97 = tpu.vector_load %arg9[%swap3A_95, %swap3A_96] {strides = array<i32>} : memref<32x256xf32, #tpu.memory_space<vmem>>, vector<16xf32>,
      tpu.vector_store %arg9[%swap3A_95, %swap3A_96], %gather3A_91 {strides = array<i32>} : memref<32x256xf32, #tpu.memory_space<vmem>>, vector<16xf32>,
      %add3A_98 = arith.constant 3 : i32
      %add3A_99 = vector.broadcast %add3A_98 : i32 to vector<16xi32>
      %add3A_100 = arith.addi %mul3A_69, %add3A_99 : vector<16xi32>
      %gather3A_101 = tpu.vector_load_idx %arg8[%add3A_61, %add3A_100] : memref<256x128xf32, #tpu.memory_space<vmem>>[vector<16xi32>, vector<16xi32>], vector<16xf32>,
      %mul3A_102 = arith.constant 16 : i32
      %mul3A_103 = arith.muli %scan3A_57, %mul3A_102 : i32
      %swap3A_104 = arith.constant 3 : i32
      %swap3A_105 = arith.index_cast %swap3A_104 : i32 to index
      %swap3A_106 = arith.index_cast %mul3A_103 : i32 to index
      %swap3A_107 = tpu.vector_load %arg9[%swap3A_105, %swap3A_106] {strides = array<i32>} : memref<32x256xf32, #tpu.memory_space<vmem>>, vector<16xf32>,
      tpu.vector_store %arg9[%swap3A_105, %swap3A_106], %gather3A_101 {strides = array<i32>} : memref<32x256xf32, #tpu.memory_space<vmem>>, vector<16xf32>,
      %add3A_108 = arith.constant 4 : i32
      %add3A_109 = vector.broadcast %add3A_108 : i32 to vector<16xi32>
      %add3A_110 = arith.addi %mul3A_69, %add3A_109 : vector<16xi32>
      %gather3A_111 = tpu.vector_load_idx %arg8[%add3A_61, %add3A_110] : memref<256x128xf32, #tpu.memory_space<vmem>>[vector<16xi32>, vector<16xi32>], vector<16xf32>,
      %mul3A_112 = arith.constant 16 : i32
      %mul3A_113 = arith.muli %scan3A_57, %mul3A_112 : i32
      %swap3A_114 = arith.constant 4 : i32
      %swap3A_115 = arith.index_cast %swap3A_114 : i32 to index
      %swap3A_116 = arith.index_cast %mul3A_113 : i32 to index
      %swap3A_117 = tpu.vector_load %arg9[%swap3A_115, %swap3A_116] {strides = array<i32>} : memref<32x256xf32, #tpu.memory_space<vmem>>, vector<16xf32>,
      tpu.vector_store %arg9[%swap3A_115, %swap3A_116], %gather3A_111 {strides = array<i32>} : memref<32x256xf32, #tpu.memory_space<vmem>>, vector<16xf32>,
      %add3A_118 = arith.constant 5 : i32
      %add3A_119 = vector.broadcast %add3A_118 : i32 to vector<16xi32>
      %add3A_120 = arith.addi %mul3A_69, %add3A_119 : vector<16xi32>
      %gather3A_121 = tpu.vector_load_idx %arg8[%add3A_61, %add3A_120] : memref<256x128xf32, #tpu.memory_space<vmem>>[vector<16xi32>, vector<16xi32>], vector<16xf32>,
      %mul3A_122 = arith.constant 16 : i32
      %mul3A_123 = arith.muli %scan3A_57, %mul3A_122 : i32
      %swap3A_124 = arith.constant 5 : i32
      %swap3A_125 = arith.index_cast %swap3A_124 : i32 to index
      %swap3A_126 = arith.index_cast %mul3A_123 : i32 to index
      %swap3A_127 = tpu.vector_load %arg9[%swap3A_125, %swap3A_126] {strides = array<i32>} : memref<32x256xf32, #tpu.memory_space<vmem>>, vector<16xf32>,
      tpu.vector_store %arg9[%swap3A_125, %swap3A_126], %gather3A_121 {strides = array<i32>} : memref<32x256xf32, #tpu.memory_space<vmem>>, vector<16xf32>,
      %add3A_128 = arith.constant 6 : i32
      %add3A_129 = vector.broadcast %add3A_128 : i32 to vector<16xi32>
      %add3A_130 = arith.addi %mul3A_69, %add3A_129 : vector<16xi32>
      %gather3A_131 = tpu.vector_load_idx %arg8[%add3A_61, %add3A_130] : memref<256x128xf32, #tpu.memory_space<vmem>>[vector<16xi32>, vector<16xi32>], vector<16xf32>,
      %mul3A_132 = arith.constant 16 : i32
      %mul3A_133 = arith.muli %scan3A_57, %mul3A_132 : i32
      %swap3A_134 = arith.constant 6 : i32
      %swap3A_135 = arith.index_cast %swap3A_134 : i32 to index
      %swap3A_136 = arith.index_cast %mul3A_133 : i32 to index
      %swap3A_137 = tpu.vector_load %arg9[%swap3A_135, %swap3A_136] {strides = array<i32>} : memref<32x256xf32, #tpu.memory_space<vmem>>, vector<16xf32>,
      tpu.vector_store %arg9[%swap3A_135, %swap3A_136], %gather3A_131 {strides = array<i32>} : memref<32x256xf32, #tpu.memory_space<vmem>>, vector<16xf32>,
      %add3A_138 = arith.constant 7 : i32
      %add3A_139 = vector.broadcast %add3A_138 : i32 to vector<16xi32>
      %add3A_140 = arith.addi %mul3A_69, %add3A_139 : vector<16xi32>
      %gather3A_141 = tpu.vector_load_idx %arg8[%add3A_61, %add3A_140] : memref<256x128xf32, #tpu.memory_space<vmem>>[vector<16xi32>, vector<16xi32>], vector<16xf32>,
      %mul3A_142 = arith.constant 16 : i32
      %mul3A_143 = arith.muli %scan3A_57, %mul3A_142 : i32
      %swap3A_144 = arith.constant 7 : i32
      %swap3A_145 = arith.index_cast %swap3A_144 : i32 to index
      %swap3A_146 = arith.index_cast %mul3A_143 : i32 to index
      %swap3A_147 = tpu.vector_load %arg9[%swap3A_145, %swap3A_146] {strides = array<i32>} : memref<32x256xf32, #tpu.memory_space<vmem>>, vector<16xf32>,
      tpu.vector_store %arg9[%swap3A_145, %swap3A_146], %gather3A_141 {strides = array<i32>} : memref<32x256xf32, #tpu.memory_space<vmem>>, vector<16xf32>,
      %add3A_148 = arith.constant 8 : i32
      %add3A_149 = vector.broadcast %add3A_148 : i32 to vector<16xi32>
      %add3A_150 = arith.addi %mul3A_69, %add3A_149 : vector<16xi32>
      %gather3A_151 = tpu.vector_load_idx %arg8[%add3A_61, %add3A_150] : memref<256x128xf32, #tpu.memory_space<vmem>>[vector<16xi32>, vector<16xi32>], vector<16xf32>,
      %mul3A_152 = arith.constant 16 : i32
      %mul3A_153 = arith.muli %scan3A_57, %mul3A_152 : i32
      %swap3A_154 = arith.constant 8 : i32
      %swap3A_155 = arith.index_cast %swap3A_154 : i32 to index
      %swap3A_156 = arith.index_cast %mul3A_153 : i32 to index
      %swap3A_157 = tpu.vector_load %arg9[%swap3A_155, %swap3A_156] {strides = array<i32>} : memref<32x256xf32, #tpu.memory_space<vmem>>, vector<16xf32>,
      tpu.vector_store %arg9[%swap3A_155, %swap3A_156], %gather3A_151 {strides = array<i32>} : memref<32x256xf32, #tpu.memory_space<vmem>>, vector<16xf32>,
      %add3A_158 = arith.constant 9 : i32
      %add3A_159 = vector.broadcast %add3A_158 : i32 to vector<16xi32>
      %add3A_160 = arith.addi %mul3A_69, %add3A_159 : vector<16xi32>
      %gather3A_161 = tpu.vector_load_idx %arg8[%add3A_61, %add3A_160] : memref<256x128xf32, #tpu.memory_space<vmem>>[vector<16xi32>, vector<16xi32>], vector<16xf32>,
      %mul3A_162 = arith.constant 16 : i32
      %mul3A_163 = arith.muli %scan3A_57, %mul3A_162 : i32
      %swap3A_164 = arith.constant 9 : i32
      %swap3A_165 = arith.index_cast %swap3A_164 : i32 to index
      %swap3A_166 = arith.index_cast %mul3A_163 : i32 to index
      %swap3A_167 = tpu.vector_load %arg9[%swap3A_165, %swap3A_166] {strides = array<i32>} : memref<32x256xf32, #tpu.memory_space<vmem>>, vector<16xf32>,
      tpu.vector_store %arg9[%swap3A_165, %swap3A_166], %gather3A_161 {strides = array<i32>} : memref<32x256xf32, #tpu.memory_space<vmem>>, vector<16xf32>,
      %add3A_168 = arith.constant 10 : i32
      %add3A_169 = vector.broadcast %add3A_168 : i32 to vector<16xi32>
      %add3A_170 = arith.addi %mul3A_69, %add3A_169 : vector<16xi32>
      %gather3A_171 = tpu.vector_load_idx %arg8[%add3A_61, %add3A_170] : memref<256x128xf32, #tpu.memory_space<vmem>>[vector<16xi32>, vector<16xi32>], vector<16xf32>,
      %mul3A_172 = arith.constant 16 : i32
      %mul3A_173 = arith.muli %scan3A_57, %mul3A_172 : i32
      %swap3A_174 = arith.constant 10 : i32
      %swap3A_175 = arith.index_cast %swap3A_174 : i32 to index
      %swap3A_176 = arith.index_cast %mul3A_173 : i32 to index
      %swap3A_177 = tpu.vector_load %arg9[%swap3A_175, %swap3A_176] {strides = array<i32>} : memref<32x256xf32, #tpu.memory_space<vmem>>, vector<16xf32>,
      tpu.vector_store %arg9[%swap3A_175, %swap3A_176], %gather3A_171 {strides = array<i32>} : memref<32x256xf32, #tpu.memory_space<vmem>>, vector<16xf32>,
      %add3A_178 = arith.constant 11 : i32
      %add3A_179 = vector.broadcast %add3A_178 : i32 to vector<16xi32>
      %add3A_180 = arith.addi %mul3A_69, %add3A_179 : vector<16xi32>
      %gather3A_181 = tpu.vector_load_idx %arg8[%add3A_61, %add3A_180] : memref<256x128xf32, #tpu.memory_space<vmem>>[vector<16xi32>, vector<16xi32>], vector<16xf32>,
      %mul3A_182 = arith.constant 16 : i32
      %mul3A_183 = arith.muli %scan3A_57, %mul3A_182 : i32
      %swap3A_184 = arith.constant 11 : i32
      %swap3A_185 = arith.index_cast %swap3A_184 : i32 to index
      %swap3A_186 = arith.index_cast %mul3A_183 : i32 to index
      %swap3A_187 = tpu.vector_load %arg9[%swap3A_185, %swap3A_186] {strides = array<i32>} : memref<32x256xf32, #tpu.memory_space<vmem>>, vector<16xf32>,
      tpu.vector_store %arg9[%swap3A_185, %swap3A_186], %gather3A_181 {strides = array<i32>} : memref<32x256xf32, #tpu.memory_space<vmem>>, vector<16xf32>,
      %add3A_188 = arith.constant 12 : i32
      %add3A_189 = vector.broadcast %add3A_188 : i32 to vector<16xi32>
      %add3A_190 = arith.addi %mul3A_69, %add3A_189 : vector<16xi32>
      %gather3A_191 = tpu.vector_load_idx %arg8[%add3A_61, %add3A_190] : memref<256x128xf32, #tpu.memory_space<vmem>>[vector<16xi32>, vector<16xi32>], vector<16xf32>,
      %mul3A_192 = arith.constant 16 : i32
      %mul3A_193 = arith.muli %scan3A_57, %mul3A_192 : i32
      %swap3A_194 = arith.constant 12 : i32
      %swap3A_195 = arith.index_cast %swap3A_194 : i32 to index
      %swap3A_196 = arith.index_cast %mul3A_193 : i32 to index
      %swap3A_197 = tpu.vector_load %arg9[%swap3A_195, %swap3A_196] {strides = array<i32>} : memref<32x256xf32, #tpu.memory_space<vmem>>, vector<16xf32>,
      tpu.vector_store %arg9[%swap3A_195, %swap3A_196], %gather3A_191 {strides = array<i32>} : memref<32x256xf32, #tpu.memory_space<vmem>>, vector<16xf32>,
      %add3A_198 = arith.constant 13 : i32
      %add3A_199 = vector.broadcast %add3A_198 : i32 to vector<16xi32>
      %add3A_200 = arith.addi %mul3A_69, %add3A_199 : vector<16xi32>
      %gather3A_201 = tpu.vector_load_idx %arg8[%add3A_61, %add3A_200] : memref<256x128xf32, #tpu.memory_space<vmem>>[vector<16xi32>, vector<16xi32>], vector<16xf32>,
      %mul3A_202 = arith.constant 16 : i32
      %mul3A_203 = arith.muli %scan3A_57, %mul3A_202 : i32
      %swap3A_204 = arith.constant 13 : i32
      %swap3A_205 = arith.index_cast %swap3A_204 : i32 to index
      %swap3A_206 = arith.index_cast %mul3A_203 : i32 to index
      %swap3A_207 = tpu.vector_load %arg9[%swap3A_205, %swap3A_206] {strides = array<i32>} : memref<32x256xf32, #tpu.memory_space<vmem>>, vector<16xf32>,
      tpu.vector_store %arg9[%swap3A_205, %swap3A_206], %gather3A_201 {strides = array<i32>} : memref<32x256xf32, #tpu.memory_space<vmem>>, vector<16xf32>,
      %add3A_208 = arith.constant 14 : i32
      %add3A_209 = vector.broadcast %add3A_208 : i32 to vector<16xi32>
      %add3A_210 = arith.addi %mul3A_69, %add3A_209 : vector<16xi32>
      %gather3A_211 = tpu.vector_load_idx %arg8[%add3A_61, %add3A_210] : memref<256x128xf32, #tpu.memory_space<vmem>>[vector<16xi32>, vector<16xi32>], vector<16xf32>,
      %mul3A_212 = arith.constant 16 : i32
      %mul3A_213 = arith.muli %scan3A_57, %mul3A_212 : i32
      %swap3A_214 = arith.constant 14 : i32
      %swap3A_215 = arith.index_cast %swap3A_214 : i32 to index
      %swap3A_216 = arith.index_cast %mul3A_213 : i32 to index
      %swap3A_217 = tpu.vector_load %arg9[%swap3A_215, %swap3A_216] {strides = array<i32>} : memref<32x256xf32, #tpu.memory_space<vmem>>, vector<16xf32>,
      tpu.vector_store %arg9[%swap3A_215, %swap3A_216], %gather3A_211 {strides = array<i32>} : memref<32x256xf32, #tpu.memory_space<vmem>>, vector<16xf32>,
      %add3A_218 = arith.constant 15 : i32
      %add3A_219 = vector.broadcast %add3A_218 : i32 to vector<16xi32>
      %add3A_220 = arith.addi %mul3A_69, %add3A_219 : vector<16xi32>
      %gather3A_221 = tpu.vector_load_idx %arg8[%add3A_61, %add3A_220] : memref<256x128xf32, #tpu.memory_space<vmem>>[vector<16xi32>, vector<16xi32>], vector<16xf32>,
      %mul3A_222 = arith.constant 16 : i32
      %mul3A_223 = arith.muli %scan3A_57, %mul3A_222 : i32
      %swap3A_224 = arith.constant 15 : i32
      %swap3A_225 = arith.index_cast %swap3A_224 : i32 to index
      %swap3A_226 = arith.index_cast %mul3A_223 : i32 to index
      %swap3A_227 = tpu.vector_load %arg9[%swap3A_225, %swap3A_226] {strides = array<i32>} : memref<32x256xf32, #tpu.memory_space<vmem>>, vector<16xf32>,
      tpu.vector_store %arg9[%swap3A_225, %swap3A_226], %gather3A_221 {strides = array<i32>} : memref<32x256xf32, #tpu.memory_space<vmem>>, vector<16xf32>,
      %add3A_228 = arith.constant 16 : i32
      %add3A_229 = vector.broadcast %add3A_228 : i32 to vector<16xi32>
      %add3A_230 = arith.addi %mul3A_69, %add3A_229 : vector<16xi32>
      %gather3A_231 = tpu.vector_load_idx %arg8[%add3A_61, %add3A_230] : memref<256x128xf32, #tpu.memory_space<vmem>>[vector<16xi32>, vector<16xi32>], vector<16xf32>,
      %mul3A_232 = arith.constant 16 : i32
      %mul3A_233 = arith.muli %scan3A_57, %mul3A_232 : i32
      %swap3A_234 = arith.constant 16 : i32
      %swap3A_235 = arith.index_cast %swap3A_234 : i32 to index
      %swap3A_236 = arith.index_cast %mul3A_233 : i32 to index
      %swap3A_237 = tpu.vector_load %arg9[%swap3A_235, %swap3A_236] {strides = array<i32>} : memref<32x256xf32, #tpu.memory_space<vmem>>, vector<16xf32>,
      tpu.vector_store %arg9[%swap3A_235, %swap3A_236], %gather3A_231 {strides = array<i32>} : memref<32x256xf32, #tpu.memory_space<vmem>>, vector<16xf32>,
      %add3A_238 = arith.constant 17 : i32
      %add3A_239 = vector.broadcast %add3A_238 : i32 to vector<16xi32>
      %add3A_240 = arith.addi %mul3A_69, %add3A_239 : vector<16xi32>
      %gather3A_241 = tpu.vector_load_idx %arg8[%add3A_61, %add3A_240] : memref<256x128xf32, #tpu.memory_space<vmem>>[vector<16xi32>, vector<16xi32>], vector<16xf32>,
      %mul3A_242 = arith.constant 16 : i32
      %mul3A_243 = arith.muli %scan3A_57, %mul3A_242 : i32
      %swap3A_244 = arith.constant 17 : i32
      %swap3A_245 = arith.index_cast %swap3A_244 : i32 to index
      %swap3A_246 = arith.index_cast %mul3A_243 : i32 to index
      %swap3A_247 = tpu.vector_load %arg9[%swap3A_245, %swap3A_246] {strides = array<i32>} : memref<32x256xf32, #tpu.memory_space<vmem>>, vector<16xf32>,
      tpu.vector_store %arg9[%swap3A_245, %swap3A_246], %gather3A_241 {strides = array<i32>} : memref<32x256xf32, #tpu.memory_space<vmem>>, vector<16xf32>,
      %add3A_248 = arith.constant 18 : i32
      %add3A_249 = vector.broadcast %add3A_248 : i32 to vector<16xi32>
      %add3A_250 = arith.addi %mul3A_69, %add3A_249 : vector<16xi32>
      %gather3A_251 = tpu.vector_load_idx %arg8[%add3A_61, %add3A_250] : memref<256x128xf32, #tpu.memory_space<vmem>>[vector<16xi32>, vector<16xi32>], vector<16xf32>,
      %mul3A_252 = arith.constant 16 : i32
      %mul3A_253 = arith.muli %scan3A_57, %mul3A_252 : i32
      %swap3A_254 = arith.constant 18 : i32
      %swap3A_255 = arith.index_cast %swap3A_254 : i32 to index
      %swap3A_256 = arith.index_cast %mul3A_253 : i32 to index
      %swap3A_257 = tpu.vector_load %arg9[%swap3A_255, %swap3A_256] {strides = array<i32>} : memref<32x256xf32, #tpu.memory_space<vmem>>, vector<16xf32>,
      tpu.vector_store %arg9[%swap3A_255, %swap3A_256], %gather3A_251 {strides = array<i32>} : memref<32x256xf32, #tpu.memory_space<vmem>>, vector<16xf32>,
      %add3A_258 = arith.constant 19 : i32
      %add3A_259 = vector.broadcast %add3A_258 : i32 to vector<16xi32>
      %add3A_260 = arith.addi %mul3A_69, %add3A_259 : vector<16xi32>
      %gather3A_261 = tpu.vector_load_idx %arg8[%add3A_61, %add3A_260] : memref<256x128xf32, #tpu.memory_space<vmem>>[vector<16xi32>, vector<16xi32>], vector<16xf32>,
      %mul3A_262 = arith.constant 16 : i32
      %mul3A_263 = arith.muli %scan3A_57, %mul3A_262 : i32
      %swap3A_264 = arith.constant 19 : i32
      %swap3A_265 = arith.index_cast %swap3A_264 : i32 to index
      %swap3A_266 = arith.index_cast %mul3A_263 : i32 to index
      %swap3A_267 = tpu.vector_load %arg9[%swap3A_265, %swap3A_266] {strides = array<i32>} : memref<32x256xf32, #tpu.memory_space<vmem>>, vector<16xf32>,
      tpu.vector_store %arg9[%swap3A_265, %swap3A_266], %gather3A_261 {strides = array<i32>} : memref<32x256xf32, #tpu.memory_space<vmem>>, vector<16xf32>,
      %add3A_268 = arith.constant 20 : i32
      %add3A_269 = vector.broadcast %add3A_268 : i32 to vector<16xi32>
      %add3A_270 = arith.addi %mul3A_69, %add3A_269 : vector<16xi32>
      %gather3A_271 = tpu.vector_load_idx %arg8[%add3A_61, %add3A_270] : memref<256x128xf32, #tpu.memory_space<vmem>>[vector<16xi32>, vector<16xi32>], vector<16xf32>,
      %mul3A_272 = arith.constant 16 : i32
      %mul3A_273 = arith.muli %scan3A_57, %mul3A_272 : i32
      %swap3A_274 = arith.constant 20 : i32
      %swap3A_275 = arith.index_cast %swap3A_274 : i32 to index
      %swap3A_276 = arith.index_cast %mul3A_273 : i32 to index
      %swap3A_277 = tpu.vector_load %arg9[%swap3A_275, %swap3A_276] {strides = array<i32>} : memref<32x256xf32, #tpu.memory_space<vmem>>, vector<16xf32>,
      tpu.vector_store %arg9[%swap3A_275, %swap3A_276], %gather3A_271 {strides = array<i32>} : memref<32x256xf32, #tpu.memory_space<vmem>>, vector<16xf32>,
      %add3A_278 = arith.constant 21 : i32
      %add3A_279 = vector.broadcast %add3A_278 : i32 to vector<16xi32>
      %add3A_280 = arith.addi %mul3A_69, %add3A_279 : vector<16xi32>
      %gather3A_281 = tpu.vector_load_idx %arg8[%add3A_61, %add3A_280] : memref<256x128xf32, #tpu.memory_space<vmem>>[vector<16xi32>, vector<16xi32>], vector<16xf32>,
      %mul3A_282 = arith.constant 16 : i32
      %mul3A_283 = arith.muli %scan3A_57, %mul3A_282 : i32
      %swap3A_284 = arith.constant 21 : i32
      %swap3A_285 = arith.index_cast %swap3A_284 : i32 to index
      %swap3A_286 = arith.index_cast %mul3A_283 : i32 to index
      %swap3A_287 = tpu.vector_load %arg9[%swap3A_285, %swap3A_286] {strides = array<i32>} : memref<32x256xf32, #tpu.memory_space<vmem>>, vector<16xf32>,
      tpu.vector_store %arg9[%swap3A_285, %swap3A_286], %gather3A_281 {strides = array<i32>} : memref<32x256xf32, #tpu.memory_space<vmem>>, vector<16xf32>,
      %add3A_288 = arith.constant 22 : i32
      %add3A_289 = vector.broadcast %add3A_288 : i32 to vector<16xi32>
      %add3A_290 = arith.addi %mul3A_69, %add3A_289 : vector<16xi32>
      %gather3A_291 = tpu.vector_load_idx %arg8[%add3A_61, %add3A_290] : memref<256x128xf32, #tpu.memory_space<vmem>>[vector<16xi32>, vector<16xi32>], vector<16xf32>,
      %mul3A_292 = arith.constant 16 : i32
      %mul3A_293 = arith.muli %scan3A_57, %mul3A_292 : i32
      %swap3A_294 = arith.constant 22 : i32
      %swap3A_295 = arith.index_cast %swap3A_294 : i32 to index
      %swap3A_296 = arith.index_cast %mul3A_293 : i32 to index
      %swap3A_297 = tpu.vector_load %arg9[%swap3A_295, %swap3A_296] {strides = array<i32>} : memref<32x256xf32, #tpu.memory_space<vmem>>, vector<16xf32>,
      tpu.vector_store %arg9[%swap3A_295, %swap3A_296], %gather3A_291 {strides = array<i32>} : memref<32x256xf32, #tpu.memory_space<vmem>>, vector<16xf32>,
      %add3A_298 = arith.constant 23 : i32
      %add3A_299 = vector.broadcast %add3A_298 : i32 to vector<16xi32>
      %add3A_300 = arith.addi %mul3A_69, %add3A_299 : vector<16xi32>
      %gather3A_301 = tpu.vector_load_idx %arg8[%add3A_61, %add3A_300] : memref<256x128xf32, #tpu.memory_space<vmem>>[vector<16xi32>, vector<16xi32>], vector<16xf32>,
      %mul3A_302 = arith.constant 16 : i32
      %mul3A_303 = arith.muli %scan3A_57, %mul3A_302 : i32
      %swap3A_304 = arith.constant 23 : i32
      %swap3A_305 = arith.index_cast %swap3A_304 : i32 to index
      %swap3A_306 = arith.index_cast %mul3A_303 : i32 to index
      %swap3A_307 = tpu.vector_load %arg9[%swap3A_305, %swap3A_306] {strides = array<i32>} : memref<32x256xf32, #tpu.memory_space<vmem>>, vector<16xf32>,
      tpu.vector_store %arg9[%swap3A_305, %swap3A_306], %gather3A_301 {strides = array<i32>} : memref<32x256xf32, #tpu.memory_space<vmem>>, vector<16xf32>,
      %add3A_308 = arith.constant 24 : i32
      %add3A_309 = vector.broadcast %add3A_308 : i32 to vector<16xi32>
      %add3A_310 = arith.addi %mul3A_69, %add3A_309 : vector<16xi32>
      %gather3A_311 = tpu.vector_load_idx %arg8[%add3A_61, %add3A_310] : memref<256x128xf32, #tpu.memory_space<vmem>>[vector<16xi32>, vector<16xi32>], vector<16xf32>,
      %mul3A_312 = arith.constant 16 : i32
      %mul3A_313 = arith.muli %scan3A_57, %mul3A_312 : i32
      %swap3A_314 = arith.constant 24 : i32
      %swap3A_315 = arith.index_cast %swap3A_314 : i32 to index
      %swap3A_316 = arith.index_cast %mul3A_313 : i32 to index
      %swap3A_317 = tpu.vector_load %arg9[%swap3A_315, %swap3A_316] {strides = array<i32>} : memref<32x256xf32, #tpu.memory_space<vmem>>, vector<16xf32>,
      tpu.vector_store %arg9[%swap3A_315, %swap3A_316], %gather3A_311 {strides = array<i32>} : memref<32x256xf32, #tpu.memory_space<vmem>>, vector<16xf32>,
      %add3A_318 = arith.constant 25 : i32
      %add3A_319 = vector.broadcast %add3A_318 : i32 to vector<16xi32>
      %add3A_320 = arith.addi %mul3A_69, %add3A_319 : vector<16xi32>
      %gather3A_321 = tpu.vector_load_idx %arg8[%add3A_61, %add3A_320] : memref<256x128xf32, #tpu.memory_space<vmem>>[vector<16xi32>, vector<16xi32>], vector<16xf32>,
      %mul3A_322 = arith.constant 16 : i32
      %mul3A_323 = arith.muli %scan3A_57, %mul3A_322 : i32
      %swap3A_324 = arith.constant 25 : i32
      %swap3A_325 = arith.index_cast %swap3A_324 : i32 to index
      %swap3A_326 = arith.index_cast %mul3A_323 : i32 to index
      %swap3A_327 = tpu.vector_load %arg9[%swap3A_325, %swap3A_326] {strides = array<i32>} : memref<32x256xf32, #tpu.memory_space<vmem>>, vector<16xf32>,
      tpu.vector_store %arg9[%swap3A_325, %swap3A_326], %gather3A_321 {strides = array<i32>} : memref<32x256xf32, #tpu.memory_space<vmem>>, vector<16xf32>,
      %add3A_328 = arith.constant 26 : i32
      %add3A_329 = vector.broadcast %add3A_328 : i32 to vector<16xi32>
      %add3A_330 = arith.addi %mul3A_69, %add3A_329 : vector<16xi32>
      %gather3A_331 = tpu.vector_load_idx %arg8[%add3A_61, %add3A_330] : memref<256x128xf32, #tpu.memory_space<vmem>>[vector<16xi32>, vector<16xi32>], vector<16xf32>,
      %mul3A_332 = arith.constant 16 : i32
      %mul3A_333 = arith.muli %scan3A_57, %mul3A_332 : i32
      %swap3A_334 = arith.constant 26 : i32
      %swap3A_335 = arith.index_cast %swap3A_334 : i32 to index
      %swap3A_336 = arith.index_cast %mul3A_333 : i32 to index
      %swap3A_337 = tpu.vector_load %arg9[%swap3A_335, %swap3A_336] {strides = array<i32>} : memref<32x256xf32, #tpu.memory_space<vmem>>, vector<16xf32>,
      tpu.vector_store %arg9[%swap3A_335, %swap3A_336], %gather3A_331 {strides = array<i32>} : memref<32x256xf32, #tpu.memory_space<vmem>>, vector<16xf32>,
      %add3A_338 = arith.constant 27 : i32
      %add3A_339 = vector.broadcast %add3A_338 : i32 to vector<16xi32>
      %add3A_340 = arith.addi %mul3A_69, %add3A_339 : vector<16xi32>
      %gather3A_341 = tpu.vector_load_idx %arg8[%add3A_61, %add3A_340] : memref<256x128xf32, #tpu.memory_space<vmem>>[vector<16xi32>, vector<16xi32>], vector<16xf32>,
      %mul3A_342 = arith.constant 16 : i32
      %mul3A_343 = arith.muli %scan3A_57, %mul3A_342 : i32
      %swap3A_344 = arith.constant 27 : i32
      %swap3A_345 = arith.index_cast %swap3A_344 : i32 to index
      %swap3A_346 = arith.index_cast %mul3A_343 : i32 to index
      %swap3A_347 = tpu.vector_load %arg9[%swap3A_345, %swap3A_346] {strides = array<i32>} : memref<32x256xf32, #tpu.memory_space<vmem>>, vector<16xf32>,
      tpu.vector_store %arg9[%swap3A_345, %swap3A_346], %gather3A_341 {strides = array<i32>} : memref<32x256xf32, #tpu.memory_space<vmem>>, vector<16xf32>,
      %add3A_348 = arith.constant 28 : i32
      %add3A_349 = vector.broadcast %add3A_348 : i32 to vector<16xi32>
      %add3A_350 = arith.addi %mul3A_69, %add3A_349 : vector<16xi32>
      %gather3A_351 = tpu.vector_load_idx %arg8[%add3A_61, %add3A_350] : memref<256x128xf32, #tpu.memory_space<vmem>>[vector<16xi32>, vector<16xi32>], vector<16xf32>,
      %mul3A_352 = arith.constant 16 : i32
      %mul3A_353 = arith.muli %scan3A_57, %mul3A_352 : i32
      %swap3A_354 = arith.constant 28 : i32
      %swap3A_355 = arith.index_cast %swap3A_354 : i32 to index
      %swap3A_356 = arith.index_cast %mul3A_353 : i32 to index
      %swap3A_357 = tpu.vector_load %arg9[%swap3A_355, %swap3A_356] {strides = array<i32>} : memref<32x256xf32, #tpu.memory_space<vmem>>, vector<16xf32>,
      tpu.vector_store %arg9[%swap3A_355, %swap3A_356], %gather3A_351 {strides = array<i32>} : memref<32x256xf32, #tpu.memory_space<vmem>>, vector<16xf32>,
      %add3A_358 = arith.constant 29 : i32
      %add3A_359 = vector.broadcast %add3A_358 : i32 to vector<16xi32>
      %add3A_360 = arith.addi %mul3A_69, %add3A_359 : vector<16xi32>
      %gather3A_361 = tpu.vector_load_idx %arg8[%add3A_61, %add3A_360] : memref<256x128xf32, #tpu.memory_space<vmem>>[vector<16xi32>, vector<16xi32>], vector<16xf32>,
      %mul3A_362 = arith.constant 16 : i32
      %mul3A_363 = arith.muli %scan3A_57, %mul3A_362 : i32
      %swap3A_364 = arith.constant 29 : i32
      %swap3A_365 = arith.index_cast %swap3A_364 : i32 to index
      %swap3A_366 = arith.index_cast %mul3A_363 : i32 to index
      %swap3A_367 = tpu.vector_load %arg9[%swap3A_365, %swap3A_366] {strides = array<i32>} : memref<32x256xf32, #tpu.memory_space<vmem>>, vector<16xf32>,
      tpu.vector_store %arg9[%swap3A_365, %swap3A_366], %gather3A_361 {strides = array<i32>} : memref<32x256xf32, #tpu.memory_space<vmem>>, vector<16xf32>,
      %add3A_368 = arith.constant 30 : i32
      %add3A_369 = vector.broadcast %add3A_368 : i32 to vector<16xi32>
      %add3A_370 = arith.addi %mul3A_69, %add3A_369 : vector<16xi32>
      %gather3A_371 = tpu.vector_load_idx %arg8[%add3A_61, %add3A_370] : memref<256x128xf32, #tpu.memory_space<vmem>>[vector<16xi32>, vector<16xi32>], vector<16xf32>,
      %mul3A_372 = arith.constant 16 : i32
      %mul3A_373 = arith.muli %scan3A_57, %mul3A_372 : i32
      %swap3A_374 = arith.constant 30 : i32
      %swap3A_375 = arith.index_cast %swap3A_374 : i32 to index
      %swap3A_376 = arith.index_cast %mul3A_373 : i32 to index
      %swap3A_377 = tpu.vector_load %arg9[%swap3A_375, %swap3A_376] {strides = array<i32>} : memref<32x256xf32, #tpu.memory_space<vmem>>, vector<16xf32>,
      tpu.vector_store %arg9[%swap3A_375, %swap3A_376], %gather3A_371 {strides = array<i32>} : memref<32x256xf32, #tpu.memory_space<vmem>>, vector<16xf32>,
      %add3A_378 = arith.constant 31 : i32
      %add3A_379 = vector.broadcast %add3A_378 : i32 to vector<16xi32>
      %add3A_380 = arith.addi %mul3A_69, %add3A_379 : vector<16xi32>
      %gather3A_381 = tpu.vector_load_idx %arg8[%add3A_61, %add3A_380] : memref<256x128xf32, #tpu.memory_space<vmem>>[vector<16xi32>, vector<16xi32>], vector<16xf32>,
      %mul3A_382 = arith.constant 16 : i32
      %mul3A_383 = arith.muli %scan3A_57, %mul3A_382 : i32
      %swap3A_384 = arith.constant 31 : i32
      %swap3A_385 = arith.index_cast %swap3A_384 : i32 to index
      %swap3A_386 = arith.index_cast %mul3A_383 : i32 to index
      %swap3A_387 = tpu.vector_load %arg9[%swap3A_385, %swap3A_386] {strides = array<i32>} : memref<32x256xf32, #tpu.memory_space<vmem>>, vector<16xf32>,
      tpu.vector_store %arg9[%swap3A_385, %swap3A_386], %gather3A_381 {strides = array<i32>} : memref<32x256xf32, #tpu.memory_space<vmem>>, vector<16xf32>,
    }
    %scan3A_43 = arith.constant 16 : i32
    "tpu.region"() ({
      %run_scoped3A = tpu.sem_alloc : memref<!tpu.dma_semaphore, #tpu.memory_space<semaphore_mem>>
      %dma_start3A_57 = arith.constant 0 : i32
      %dma_start3A_58 = tpu.memref_slice %arg4[%dma_start3A_57, %mul3A_2] : memref<32x8192xf32, #tpu.memory_space<hbm>> -> memref<32x256xf32, #tpu.memory_space<hbm>>
      %dma_start3A_59 = arith.constant 0 : i32
      %dma_start3A_60 = tpu.memref_slice %arg4[%dma_start3A_59, %mul3A_2] : memref<32x8192xf32, #tpu.memory_space<hbm>> -> memref<32x256xf32, #tpu.memory_space<hbm>>
      tpu.enqueue_dma source(%arg9 : memref<32x256xf32, #tpu.memory_space<vmem>>) target(%dma_start3A_60 : memref<32x256xf32, #tpu.memory_space<hbm>>) target_semaphore(%run_scoped3A : memref<!tpu.dma_semaphore, #tpu.memory_space<semaphore_mem>>)
      %dma_wait3A_61 = arith.constant 0 : i32
      %dma_wait3A_62 = tpu.memref_slice %arg4[%dma_wait3A_61, %mul3A_2] : memref<32x8192xf32, #tpu.memory_space<hbm>> -> memref<32x256xf32, #tpu.memory_space<hbm>>
      %dma_wait3A_63 = arith.constant 0 : i32
      %dma_wait3A_64 = tpu.memref_slice %arg4[%dma_wait3A_63, %mul3A_2] : memref<32x8192xf32, #tpu.memory_space<hbm>> -> memref<32x256xf32, #tpu.memory_space<hbm>>
      tpu.wait_dma2 semaphore(%run_scoped3A : memref<!tpu.dma_semaphore, #tpu.memory_space<semaphore_mem>>) src(%arg9 : memref<32x256xf32, #tpu.memory_space<vmem>>) dst(%dma_wait3A_64 : memref<32x256xf32, #tpu.memory_space<hbm>>)
      tpu.yield
    }) : () -> ()
    %scan3A_44 = arith.constant 0 : i32
    %scan3A_45 = arith.constant 0 : i32
    %scan3A_46 = arith.constant 512 : i32
    %scan3A_47 = arith.addi %scan3A_45, %scan3A_46 : i32
    %scan3A_48 = arith.constant 1 : i32
    scf.for %scan3A_57 = %scan3A_45 to %scan3A_47 step %scan3A_48  : i32 {
      %broadcast_in_dim3A_58 = arith.constant 0.000000e+00 : f32
      %broadcast_in_dim3A_59 = vector.broadcast %broadcast_in_dim3A_58 : f32 to vector<16xf32>
      %mul3A_60 = arith.constant 16 : i32
      %mul3A_61 = arith.muli %scan3A_57, %mul3A_60 : i32
      %swap3A = arith.index_cast %mul3A_61 : i32 to index
      %swap3A_62 = tpu.vector_load %arg10[%swap3A] {strides = array<i32>} : memref<8192xf32, #tpu.memory_space<vmem>>, vector<16xf32>,
      tpu.vector_store %arg10[%swap3A], %broadcast_in_dim3A_59 {strides = array<i32>} : memref<8192xf32, #tpu.memory_space<vmem>>, vector<16xf32>,
    }
    %scan3A_49 = arith.constant 512 : i32
    %broadcast_in_dim3A = arith.constant 1.000000e+00 : f32
    %broadcast_in_dim3A_50 = vector.broadcast %broadcast_in_dim3A : f32 to vector<16xf32>
    %scan3A_51 = arith.constant 0 : i32
    %scan3A_52 = arith.constant 0 : i32
    %scan3A_53 = arith.constant 16 : i32
    %scan3A_54 = arith.addi %scan3A_52, %scan3A_53 : i32
    %scan3A_55 = arith.constant 1 : i32
    scf.for %scan3A_57 = %scan3A_52 to %scan3A_54 step %scan3A_55  : i32 {
      %mul3A_58 = arith.constant 16 : i32
      %mul3A_59 = arith.muli %scan3A_57, %mul3A_58 : i32
      %get3A = arith.index_cast %mul3A_59 : i32 to index
      %get3A_60 = tpu.vector_load %arg6[%get3A] {strides = array<i32>} : memref<256xi32, #tpu.memory_space<vmem>>, vector<16xi32>,
      tpu.vector_store_idx %arg10[%get3A_60], %broadcast_in_dim3A_50 {add = true} : memref<8192xf32, #tpu.memory_space<vmem>>[vector<16xi32>], vector<16xf32>,
    }
    %scan3A_56 = arith.constant 16 : i32
    "tpu.region"() ({
      %run_scoped3A = tpu.sem_alloc : memref<!tpu.dma_semaphore, #tpu.memory_space<semaphore_mem>>
      %dma_start3A_57 = arith.constant 0 : i32
      %dma_start3A_58 = tpu.memref_slice %arg5[%add3A, %dma_start3A_57] : memref<32x8192xf32, #tpu.memory_space<hbm>> -> memref<1x8192xf32, #tpu.memory_space<hbm>>
      %dma_start3A_59 = tpu.memref_squeeze %dma_start3A_58 : memref<1x8192xf32, #tpu.memory_space<hbm>> -> memref<8192xf32, #tpu.memory_space<hbm>>
      %dma_start3A_60 = arith.constant 0 : i32
      %dma_start3A_61 = tpu.memref_slice %arg5[%add3A, %dma_start3A_60] : memref<32x8192xf32, #tpu.memory_space<hbm>> -> memref<1x8192xf32, #tpu.memory_space<hbm>>
      %dma_start3A_62 = tpu.memref_squeeze %dma_start3A_61 : memref<1x8192xf32, #tpu.memory_space<hbm>> -> memref<8192xf32, #tpu.memory_space<hbm>>
      tpu.enqueue_dma source(%arg10 : memref<8192xf32, #tpu.memory_space<vmem>>) target(%dma_start3A_62 : memref<8192xf32, #tpu.memory_space<hbm>>) target_semaphore(%run_scoped3A : memref<!tpu.dma_semaphore, #tpu.memory_space<semaphore_mem>>)
      %dma_wait3A_63 = arith.constant 0 : i32
      %dma_wait3A_64 = tpu.memref_slice %arg5[%add3A, %dma_wait3A_63] : memref<32x8192xf32, #tpu.memory_space<hbm>> -> memref<1x8192xf32, #tpu.memory_space<hbm>>
      %dma_wait3A_65 = tpu.memref_squeeze %dma_wait3A_64 : memref<1x8192xf32, #tpu.memory_space<hbm>> -> memref<8192xf32, #tpu.memory_space<hbm>>
      %dma_wait3A_66 = arith.constant 0 : i32
      %dma_wait3A_67 = tpu.memref_slice %arg5[%add3A, %dma_wait3A_66] : memref<32x8192xf32, #tpu.memory_space<hbm>> -> memref<1x8192xf32, #tpu.memory_space<hbm>>
      %dma_wait3A_68 = tpu.memref_squeeze %dma_wait3A_67 : memref<1x8192xf32, #tpu.memory_space<hbm>> -> memref<8192xf32, #tpu.memory_space<hbm>>
      tpu.wait_dma2 semaphore(%run_scoped3A : memref<!tpu.dma_semaphore, #tpu.memory_space<semaphore_mem>>) src(%arg10 : memref<8192xf32, #tpu.memory_space<vmem>>) dst(%dma_wait3A_68 : memref<8192xf32, #tpu.memory_space<hbm>>)
      tpu.yield
    }) : () -> ()
    return
  }
}

module attributes {stable_mosaic.version = 14 : i64} {
  func.func @_k1_body(%arg0: i32, %arg1: memref<1x32x1024xf32, #tpu.memory_space<vmem>>, %arg2: memref<8192x32xf32, #tpu.memory_space<vmem>>, %arg3: memref<1x1x1024xi32, #tpu.memory_space<vmem>>, %arg4: memref<8192x32xbf16, #tpu.memory_space<vmem>>, %arg5: memref<8192x1xf32, #tpu.memory_space<vmem>>) attributes {dimension_semantics = [#tpu.dimension_semantics<arbitrary>], iteration_bounds = array<i64: 8>, scalar_prefetch = 0 : i64, scratch_operands = 2 : i64, tpu.core_type = #tpu.core_type<tc>, window_params = [{transform_indices = @transform_0, window_bounds = array<i64: 1, 32, 1024>}, {pipeline_mode = #tpu.pipeline_mode<synchronous>, transform_indices = @transform_1, window_bounds = array<i64: 8192, 32>}, {transform_indices = @transform_2, window_bounds = array<i64: 1, 1, 1024>}]} {
    %eq3A = arith.constant 0 : i32
    %eq3A_0 = arith.cmpi eq, %arg0, %eq3A : i32
    %convert_element_type3A = arith.extui %eq3A_0 : i1 to i32
    %cond3A = arith.constant 0 : i32
    %cond3A_1 = arith.cmpi ne, %convert_element_type3A, %cond3A : i32
    scf.if %cond3A_1 {
      %get3A_24 = arith.constant 0 : index
      %get3A_25 = arith.constant 0 : index
      %get3A_26 = vector.load %arg2[%get3A_24, %get3A_25] : memref<8192x32xf32, #tpu.memory_space<vmem>>, vector<8192x32xf32>
      %mul3A_27 = arith.mulf %get3A_26, %get3A_26 : vector<8192x32xf32>
      %reduce_sum3A_28 = arith.constant dense<0.000000e+00> : vector<8192xf32>
      %reduce_sum3A_29 = vector.multi_reduction <add>, %mul3A_27, %reduce_sum3A_28 [1] : vector<8192x32xf32> to vector<8192xf32>
      %broadcast_in_dim3A_30 = vector.shape_cast %reduce_sum3A_29 : vector<8192xf32> to vector<8192x1xf32>
      %sqrt3A_31 = math.sqrt %broadcast_in_dim3A_30 : vector<8192x1xf32>
      %max3A_32 = arith.constant 9.99999996E-13 : f32
      %max3A_33 = vector.broadcast %max3A_32 : f32 to vector<8192x1xf32>
      %max3A_34 = arith.maximumf %sqrt3A_31, %max3A_33 : vector<8192x1xf32>
      %div3A_35 = vector.broadcast %max3A_34 : vector<8192x1xf32> to vector<8192x32xf32>
      %div3A_36 = arith.divf %get3A_26, %div3A_35 : vector<8192x32xf32>
      %mul3A_37 = arith.constant -2.000000e+00 : f32
      %mul3A_38 = vector.broadcast %mul3A_37 : f32 to vector<8192x32xf32>
      %mul3A_39 = arith.mulf %mul3A_38, %div3A_36 : vector<8192x32xf32>
      %convert_element_type3A_40 = arith.truncf %mul3A_39 : vector<8192x32xf32> to vector<8192x32xbf16>
      %swap3A_41 = arith.constant 0 : index
      %swap3A_42 = arith.constant 0 : index
      %swap3A_43 = vector.load %arg4[%swap3A_41, %swap3A_42] : memref<8192x32xbf16, #tpu.memory_space<vmem>>, vector<8192x32xbf16>
      tpu.vector_store %arg4[%swap3A_41, %swap3A_42], %convert_element_type3A_40 {strides = array<i32>} : memref<8192x32xbf16, #tpu.memory_space<vmem>>, vector<8192x32xbf16>,
      %mul3A_44 = arith.mulf %div3A_36, %div3A_36 : vector<8192x32xf32>
      %reduce_sum3A_45 = arith.constant dense<0.000000e+00> : vector<8192xf32>
      %reduce_sum3A_46 = vector.multi_reduction <add>, %mul3A_44, %reduce_sum3A_45 [1] : vector<8192x32xf32> to vector<8192xf32>
      %broadcast_in_dim3A_47 = vector.shape_cast %reduce_sum3A_46 : vector<8192xf32> to vector<8192x1xf32>
      %swap3A_48 = arith.constant 0 : index
      %swap3A_49 = arith.constant 0 : index
      %swap3A_50 = vector.load %arg5[%swap3A_48, %swap3A_49] : memref<8192x1xf32, #tpu.memory_space<vmem>>, vector<8192x1xf32>
      tpu.vector_store %arg5[%swap3A_48, %swap3A_49], %broadcast_in_dim3A_47 {strides = array<i32>} : memref<8192x1xf32, #tpu.memory_space<vmem>>, vector<8192x1xf32>,
    } else {
    }
    %get3A = arith.constant 0 : index
    %get3A_2 = arith.constant 0 : index
    %get3A_3 = arith.constant 0 : index
    %get3A_4 = vector.load %arg1[%get3A, %get3A_2, %get3A_3] : memref<1x32x1024xf32, #tpu.memory_space<vmem>>, vector<1x32x1024xf32>
    %get3A_5 = vector.shape_cast %get3A_4 : vector<1x32x1024xf32> to vector<32x1024xf32>
    %mul3A = arith.mulf %get3A_5, %get3A_5 : vector<32x1024xf32>
    %reduce_sum3A = arith.constant dense<0.000000e+00> : vector<1024xf32>
    %reduce_sum3A_6 = vector.multi_reduction <add>, %mul3A, %reduce_sum3A [0] : vector<32x1024xf32> to vector<1024xf32>
    %broadcast_in_dim3A = vector.shape_cast %reduce_sum3A_6 : vector<1024xf32> to vector<1x1024xf32>
    %sqrt3A = math.sqrt %broadcast_in_dim3A : vector<1x1024xf32>
    %max3A = arith.constant 9.99999996E-13 : f32
    %max3A_7 = vector.broadcast %max3A : f32 to vector<1x1024xf32>
    %max3A_8 = arith.maximumf %sqrt3A, %max3A_7 : vector<1x1024xf32>
    %div3A = vector.broadcast %max3A_8 : vector<1x1024xf32> to vector<32x1024xf32>
    %div3A_9 = arith.divf %get3A_5, %div3A : vector<32x1024xf32>
    %get3A_10 = arith.constant 0 : index
    %get3A_11 = arith.constant 0 : index
    %get3A_12 = vector.load %arg4[%get3A_10, %get3A_11] : memref<8192x32xbf16, #tpu.memory_space<vmem>>, vector<8192x32xbf16>
    %convert_element_type3A_13 = arith.truncf %div3A_9 : vector<32x1024xf32> to vector<32x1024xbf16>
    %dot_general3A = arith.constant dense<0.000000e+00> : vector<8192x1024xf32>
    %dot_general3A_14 = tpu.matmul %get3A_12, %convert_element_type3A_13, %dot_general3A {dimension_numbers = #tpu.dot_dimension_numbers<[1], [0], [0], [1], [0, 0, 1, 1], [], []>, transpose_lhs_hint = false} : vector<8192x32xbf16>, vector<32x1024xbf16>, vector<8192x1024xf32> -> vector<8192x1024xf32>
    %get3A_15 = arith.constant 0 : index
    %get3A_16 = arith.constant 0 : index
    %get3A_17 = vector.load %arg5[%get3A_15, %get3A_16] : memref<8192x1xf32, #tpu.memory_space<vmem>>, vector<8192x1xf32>
    %add3A = vector.broadcast %get3A_17 : vector<8192x1xf32> to vector<8192x1024xf32>
    %add3A_18 = arith.addf %add3A, %dot_general3A_14 : vector<8192x1024xf32>
    %argmin3A = tpu.reduce_index %add3A_18 {axis = 0 : i32, kind = #tpu.reduction_kind<arg_min>} : vector<8192x1024xf32> -> vector<1024xi32>
    %swap3A = arith.constant 0 : index
    %swap3A_19 = arith.constant 0 : index
    %swap3A_20 = arith.constant 0 : index
    %swap3A_21 = vector.load %arg3[%swap3A, %swap3A_19, %swap3A_20] : memref<1x1x1024xi32, #tpu.memory_space<vmem>>, vector<1x1x1024xi32>
    %swap3A_22 = vector.shape_cast %swap3A_21 : vector<1x1x1024xi32> to vector<1024xi32>
    %swap3A_23 = vector.shape_cast %argmin3A : vector<1024xi32> to vector<1x1x1024xi32>
    tpu.vector_store %arg3[%swap3A, %swap3A_19, %swap3A_20], %swap3A_23 {strides = array<i32>} : memref<1x1x1024xi32, #tpu.memory_space<vmem>>, vector<1x1x1024xi32>,
    return
  }
  func.func @transform_0(%arg0: i32) -> (i32, i32, i32) {
    %jit3A = arith.constant 1 : i32
    %div3A = arith.divsi %arg0, %jit3A : i32
    %sign3A = arith.constant 0 : i32
    %sign3A_0 = arith.cmpi sgt, %arg0, %sign3A : i32
    %sign3A_1 = arith.extui %sign3A_0 : i1 to i32
    %sign3A_2 = arith.constant 0 : i32
    %sign3A_3 = arith.cmpi slt, %arg0, %sign3A_2 : i32
    %sign3A_4 = arith.extui %sign3A_3 : i1 to i32
    %sign3A_5 = arith.subi %sign3A_1, %sign3A_4 : i32
    %sign3A_6 = arith.constant 0 : i32
    %sign3A_7 = arith.cmpi sgt, %jit3A, %sign3A_6 : i32
    %sign3A_8 = arith.extui %sign3A_7 : i1 to i32
    %sign3A_9 = arith.constant 0 : i32
    %sign3A_10 = arith.cmpi slt, %jit3A, %sign3A_9 : i32
    %sign3A_11 = arith.extui %sign3A_10 : i1 to i32
    %sign3A_12 = arith.subi %sign3A_8, %sign3A_11 : i32
    %ne3A = arith.cmpi ne, %sign3A_5, %sign3A_12 : i32
    %rem3A = arith.remsi %arg0, %jit3A : i32
    %ne3A_13 = arith.constant 0 : i32
    %ne3A_14 = arith.cmpi ne, %rem3A, %ne3A_13 : i32
    %and3A = arith.andi %ne3A, %ne3A_14 : i1
    %sub3A = arith.constant 1 : i32
    %sub3A_15 = arith.subi %div3A, %sub3A : i32
    %select_n3A = arith.select %and3A, %sub3A_15, %div3A : i32
    %jit3A_16 = arith.constant 1 : i32
    %eq3A = arith.constant 0 : i32
    %eq3A_17 = arith.cmpi eq, %jit3A_16, %eq3A : i32
    %jit3A_18 = arith.constant 1 : i32
    %select_n3A_19 = arith.select %eq3A_17, %jit3A_18, %jit3A_16 : i32
    %rem3A_20 = arith.remsi %arg0, %select_n3A_19 : i32
    %ne3A_21 = arith.constant 0 : i32
    %ne3A_22 = arith.cmpi ne, %rem3A_20, %ne3A_21 : i32
    %lt3A = arith.constant 0 : i32
    %lt3A_23 = arith.cmpi slt, %rem3A_20, %lt3A : i32
    %lt3A_24 = arith.constant 0 : i32
    %lt3A_25 = arith.cmpi slt, %select_n3A_19, %lt3A_24 : i32
    %ne3A_26 = arith.xori %lt3A_23, %lt3A_25 : i1
    %and3A_27 = arith.andi %ne3A_26, %ne3A_22 : i1
    %add3A = arith.addi %rem3A_20, %select_n3A_19 : i32
    %select_n3A_28 = arith.select %and3A_27, %add3A, %rem3A_20 : i32
    %c0_i32 = arith.constant 0 : i32
    %c0_i32_29 = arith.constant 0 : i32
    return %select_n3A, %c0_i32, %select_n3A_28 : i32, i32, i32
  }
  func.func @transform_1(%arg0: i32) -> (i32, i32) {
    %c0_i32 = arith.constant 0 : i32
    %c0_i32_0 = arith.constant 0 : i32
    %c0_i32_1 = arith.constant 0 : i32
    return %c0_i32, %c0_i32_0 : i32, i32
  }
  func.func @transform_2(%arg0: i32) -> (i32, i32, i32) {
    %c0_i32 = arith.constant 0 : i32
    %c0_i32_0 = arith.constant 0 : i32
    %c0_i32_1 = arith.constant 0 : i32
    return %arg0, %c0_i32, %c0_i32_0 : i32, i32, i32
  }
}

module attributes {stable_mosaic.version = 14 : i64} {
  func.func @_k3_body(%arg0: i32, %arg1: memref<1x32x1024xf32, #tpu.memory_space<vmem>>, %arg2: memref<32x1024xf32, #tpu.memory_space<vmem>>, %arg3: memref<32x8192xf32, #tpu.memory_space<vmem>>, %arg4: memref<1x32x1024xf32, #tpu.memory_space<vmem>>, %arg5: memref<1x1xf32, #tpu.memory_space<vmem>>, %arg6: memref<1x1xf32, #tpu.memory_space<vmem>>, %arg7: memref<1x1xf32, #tpu.memory_space<vmem>>, %arg8: memref<1xf32, #tpu.memory_space<smem>>) attributes {dimension_semantics = [#tpu.dimension_semantics<arbitrary>], iteration_bounds = array<i64: 8>, scalar_prefetch = 0 : i64, scratch_operands = 1 : i64, tpu.core_type = #tpu.core_type<tc>, window_params = [{transform_indices = @transform_0, window_bounds = array<i64: 1, 32, 1024>}, {transform_indices = @transform_1, window_bounds = array<i64: 32, 1024>}, {pipeline_mode = #tpu.pipeline_mode<synchronous>, transform_indices = @transform_2, window_bounds = array<i64: 32, 8192>}, {transform_indices = @transform_3, window_bounds = array<i64: 1, 32, 1024>}, {pipeline_mode = #tpu.pipeline_mode<synchronous>, transform_indices = @transform_4, window_bounds = array<i64: 1, 1>}, {pipeline_mode = #tpu.pipeline_mode<synchronous>, transform_indices = @transform_5, window_bounds = array<i64: 1, 1>}, {pipeline_mode = #tpu.pipeline_mode<synchronous>, transform_indices = @transform_6, window_bounds = array<i64: 1, 1>}]} {
    %get3A = arith.constant 0 : index
    %get3A_0 = arith.constant 0 : index
    %get3A_1 = arith.constant 0 : index
    %get3A_2 = vector.load %arg1[%get3A, %get3A_0, %get3A_1] : memref<1x32x1024xf32, #tpu.memory_space<vmem>>, vector<1x32x1024xf32>
    %get3A_3 = vector.shape_cast %get3A_2 : vector<1x32x1024xf32> to vector<32x1024xf32>
    %mul3A = arith.mulf %get3A_3, %get3A_3 : vector<32x1024xf32>
    %reduce_sum3A = arith.constant dense<0.000000e+00> : vector<1024xf32>
    %reduce_sum3A_4 = vector.multi_reduction <add>, %mul3A, %reduce_sum3A [0] : vector<32x1024xf32> to vector<1024xf32>
    %broadcast_in_dim3A = vector.shape_cast %reduce_sum3A_4 : vector<1024xf32> to vector<1x1024xf32>
    %sqrt3A = math.sqrt %broadcast_in_dim3A : vector<1x1024xf32>
    %max3A = arith.constant 9.99999996E-13 : f32
    %max3A_5 = vector.broadcast %max3A : f32 to vector<1x1024xf32>
    %max3A_6 = arith.maximumf %sqrt3A, %max3A_5 : vector<1x1024xf32>
    %div3A = vector.broadcast %max3A_6 : vector<1x1024xf32> to vector<32x1024xf32>
    %div3A_7 = arith.divf %get3A_3, %div3A : vector<32x1024xf32>
    %get3A_8 = arith.constant 0 : index
    %get3A_9 = arith.constant 0 : index
    %get3A_10 = vector.load %arg2[%get3A_8, %get3A_9] : memref<32x1024xf32, #tpu.memory_space<vmem>>, vector<32x1024xf32>
    %mul3A_11 = arith.mulf %get3A_10, %get3A_10 : vector<32x1024xf32>
    %reduce_sum3A_12 = arith.constant dense<0.000000e+00> : vector<1024xf32>
    %reduce_sum3A_13 = vector.multi_reduction <add>, %mul3A_11, %reduce_sum3A_12 [0] : vector<32x1024xf32> to vector<1024xf32>
    %broadcast_in_dim3A_14 = vector.shape_cast %reduce_sum3A_13 : vector<1024xf32> to vector<1x1024xf32>
    %sqrt3A_15 = math.sqrt %broadcast_in_dim3A_14 : vector<1x1024xf32>
    %max3A_16 = arith.constant 9.99999996E-13 : f32
    %max3A_17 = vector.broadcast %max3A_16 : f32 to vector<1x1024xf32>
    %max3A_18 = arith.maximumf %sqrt3A_15, %max3A_17 : vector<1x1024xf32>
    %div3A_19 = vector.broadcast %max3A_18 : vector<1x1024xf32> to vector<32x1024xf32>
    %div3A_20 = arith.divf %get3A_10, %div3A_19 : vector<32x1024xf32>
    %sub3A = arith.subf %div3A_20, %div3A_7 : vector<32x1024xf32>
    %add3A = arith.addf %div3A_7, %sub3A : vector<32x1024xf32>
    %swap3A = arith.constant 0 : index
    %swap3A_21 = arith.constant 0 : index
    %swap3A_22 = arith.constant 0 : index
    %swap3A_23 = vector.load %arg4[%swap3A, %swap3A_21, %swap3A_22] : memref<1x32x1024xf32, #tpu.memory_space<vmem>>, vector<1x32x1024xf32>
    %swap3A_24 = vector.shape_cast %swap3A_23 : vector<1x32x1024xf32> to vector<32x1024xf32>
    %swap3A_25 = vector.shape_cast %add3A : vector<32x1024xf32> to vector<1x32x1024xf32>
    tpu.vector_store %arg4[%swap3A, %swap3A_21, %swap3A_22], %swap3A_25 {strides = array<i32>} : memref<1x32x1024xf32, #tpu.memory_space<vmem>>, vector<1x32x1024xf32>,
    %mul3A_26 = arith.mulf %sub3A, %sub3A : vector<32x1024xf32>
    %reduce_sum3A_27 = vector.shape_cast %mul3A_26 : vector<32x1024xf32> to vector<1x32x1024xf32>
    %reduce_sum3A_28 = arith.constant dense<0.000000e+00> : vector<1xf32>
    %reduce_sum3A_29 = vector.multi_reduction <add>, %reduce_sum3A_27, %reduce_sum3A_28 [1, 2] : vector<1x32x1024xf32> to vector<1xf32>
    %reduce_sum3A_30 = vector.shape_cast %reduce_sum3A_29 : vector<1xf32> to vector<1x1x1xf32>
    %reduce_sum3A_31 = vector.extract %reduce_sum3A_30[0, 0, 0] : f32 from vector<1x1x1xf32>
    %eq3A = arith.constant 0 : i32
    %eq3A_32 = arith.cmpi eq, %arg0, %eq3A : i32
    %convert_element_type3A = arith.extui %eq3A_32 : i1 to i32
    %cond3A = arith.constant 0 : i32
    %cond3A_33 = arith.cmpi ne, %convert_element_type3A, %cond3A : i32
    scf.if %cond3A_33 {
      %swap3A_43 = arith.constant 0 : index
      %swap3A_44 = memref.load %arg8[%swap3A_43] : memref<1xf32, #tpu.memory_space<smem>>
      memref.store %reduce_sum3A_31, %arg8[%swap3A_43] : memref<1xf32, #tpu.memory_space<smem>>
    } else {
    }
    %gt3A = arith.constant 0 : i32
    %gt3A_34 = arith.cmpi sgt, %arg0, %gt3A : i32
    %convert_element_type3A_35 = arith.extui %gt3A_34 : i1 to i32
    %cond3A_36 = arith.constant 0 : i32
    %cond3A_37 = arith.cmpi ne, %convert_element_type3A_35, %cond3A_36 : i32
    scf.if %cond3A_37 {
      %get3A_43 = arith.constant 0 : index
      %get3A_44 = memref.load %arg8[%get3A_43] : memref<1xf32, #tpu.memory_space<smem>>
      %add3A_45 = arith.addf %get3A_44, %reduce_sum3A_31 : f32
      %swap3A_46 = arith.constant 0 : index
      %swap3A_47 = memref.load %arg8[%swap3A_46] : memref<1xf32, #tpu.memory_space<smem>>
      memref.store %add3A_45, %arg8[%swap3A_46] : memref<1xf32, #tpu.memory_space<smem>>
    } else {
    }
    %eq3A_38 = arith.constant 7 : i32
    %eq3A_39 = arith.cmpi eq, %arg0, %eq3A_38 : i32
    %convert_element_type3A_40 = arith.extui %eq3A_39 : i1 to i32
    %cond3A_41 = arith.constant 0 : i32
    %cond3A_42 = arith.cmpi ne, %convert_element_type3A_40, %cond3A_41 : i32
    scf.if %cond3A_42 {
      %get3A_43 = arith.constant 0 : index
      %get3A_44 = memref.load %arg8[%get3A_43] : memref<1xf32, #tpu.memory_space<smem>>
      %div3A_45 = arith.constant 2.621440e+05 : f32
      %div3A_46 = arith.divf %get3A_44, %div3A_45 : f32
      %reshape3A = vector.broadcast %div3A_46 : f32 to vector<1x1xf32>
      %swap3A_47 = arith.constant 0 : index
      %swap3A_48 = arith.constant 0 : index
      %swap3A_49 = vector.load %arg6[%swap3A_47, %swap3A_48] : memref<1x1xf32, #tpu.memory_space<vmem>>, vector<1x1xf32>
      tpu.vector_store %arg6[%swap3A_47, %swap3A_48], %reshape3A {strides = array<i32>} : memref<1x1xf32, #tpu.memory_space<vmem>>, vector<1x1xf32>,
      %mul3A_50 = arith.constant 2.500000e-01 : f32
      %mul3A_51 = arith.mulf %mul3A_50, %div3A_46 : f32
      %reshape3A_52 = vector.broadcast %mul3A_51 : f32 to vector<1x1xf32>
      %swap3A_53 = arith.constant 0 : index
      %swap3A_54 = arith.constant 0 : index
      %swap3A_55 = vector.load %arg7[%swap3A_53, %swap3A_54] : memref<1x1xf32, #tpu.memory_space<vmem>>, vector<1x1xf32>
      tpu.vector_store %arg7[%swap3A_53, %swap3A_54], %reshape3A_52 {strides = array<i32>} : memref<1x1xf32, #tpu.memory_space<vmem>>, vector<1x1xf32>,
      %get3A_56 = arith.constant 0 : index
      %get3A_57 = arith.constant 0 : index
      %get3A_58 = vector.load %arg3[%get3A_56, %get3A_57] : memref<32x8192xf32, #tpu.memory_space<vmem>>, vector<32x8192xf32>
      %reduce_sum3A_59 = arith.constant dense<0.000000e+00> : vector<8192xf32>
      %reduce_sum3A_60 = vector.multi_reduction <add>, %get3A_58, %reduce_sum3A_59 [0] : vector<32x8192xf32> to vector<8192xf32>
      %ge3A = arith.constant 8.000000e-02 : f32
      %ge3A_61 = vector.broadcast %ge3A : f32 to vector<8192xf32>
      %ge3A_62 = arith.cmpf oge, %reduce_sum3A_60, %ge3A_61 : vector<8192xf32>
      %convert_element_type3A_63 = arith.extui %ge3A_62 : vector<8192xi1> to vector<8192xi32>
      %convert_element_type3A_64 = arith.sitofp %convert_element_type3A_63 : vector<8192xi32> to vector<8192xf32>
      %reduce_sum3A_65 = vector.shape_cast %convert_element_type3A_64 : vector<8192xf32> to vector<1x8192xf32>
      %reduce_sum3A_66 = arith.constant dense<0.000000e+00> : vector<1xf32>
      %reduce_sum3A_67 = vector.multi_reduction <add>, %reduce_sum3A_65, %reduce_sum3A_66 [1] : vector<1x8192xf32> to vector<1xf32>
      %reduce_sum3A_68 = vector.shape_cast %reduce_sum3A_67 : vector<1xf32> to vector<1x1xf32>
      %reduce_sum3A_69 = vector.extract %reduce_sum3A_68[0, 0] : f32 from vector<1x1xf32>
      %div3A_70 = arith.constant 8.192000e+03 : f32
      %div3A_71 = arith.divf %reduce_sum3A_69, %div3A_70 : f32
      %mul3A_72 = arith.constant 1.000000e+02 : f32
      %mul3A_73 = arith.mulf %div3A_71, %mul3A_72 : f32
      %reshape3A_74 = vector.broadcast %mul3A_73 : f32 to vector<1x1xf32>
      %swap3A_75 = arith.constant 0 : index
      %swap3A_76 = arith.constant 0 : index
      %swap3A_77 = vector.load %arg5[%swap3A_75, %swap3A_76] : memref<1x1xf32, #tpu.memory_space<vmem>>, vector<1x1xf32>
      tpu.vector_store %arg5[%swap3A_75, %swap3A_76], %reshape3A_74 {strides = array<i32>} : memref<1x1xf32, #tpu.memory_space<vmem>>, vector<1x1xf32>,
    } else {
    }
    return
  }
  func.func @transform_0(%arg0: i32) -> (i32, i32, i32) {
    %c0_i32 = arith.constant 0 : i32
    %c0_i32_0 = arith.constant 0 : i32
    %c0_i32_1 = arith.constant 0 : i32
    return %arg0, %c0_i32, %c0_i32_0 : i32, i32, i32
  }
  func.func @transform_1(%arg0: i32) -> (i32, i32) {
    %c0_i32 = arith.constant 0 : i32
    %c0_i32_0 = arith.constant 0 : i32
    return %c0_i32, %arg0 : i32, i32
  }
  func.func @transform_2(%arg0: i32) -> (i32, i32) {
    %c0_i32 = arith.constant 0 : i32
    %c0_i32_0 = arith.constant 0 : i32
    %c0_i32_1 = arith.constant 0 : i32
    return %c0_i32, %c0_i32_0 : i32, i32
  }
  func.func @transform_3(%arg0: i32) -> (i32, i32, i32) {
    %c0_i32 = arith.constant 0 : i32
    %c0_i32_0 = arith.constant 0 : i32
    %c0_i32_1 = arith.constant 0 : i32
    return %arg0, %c0_i32, %c0_i32_0 : i32, i32, i32
  }
  func.func @transform_4(%arg0: i32) -> (i32, i32) {
    %c0_i32 = arith.constant 0 : i32
    %c0_i32_0 = arith.constant 0 : i32
    %c0_i32_1 = arith.constant 0 : i32
    return %c0_i32, %c0_i32_0 : i32, i32
  }
  func.func @transform_5(%arg0: i32) -> (i32, i32) {
    %c0_i32 = arith.constant 0 : i32
    %c0_i32_0 = arith.constant 0 : i32
    %c0_i32_1 = arith.constant 0 : i32
    return %c0_i32, %c0_i32_0 : i32, i32
  }
  func.func @transform_6(%arg0: i32) -> (i32, i32) {
    %c0_i32 = arith.constant 0 : i32
    %c0_i32_0 = arith.constant 0 : i32
    %c0_i32_1 = arith.constant 0 : i32
    return %c0_i32, %c0_i32_0 : i32, i32
  }
}

</mosaic_0001>

<sc_bundles>
// kernel: kernel.5.cloned.1.call-start
scs
__scs_entry_jumppad:
0x0: {  	(pc) =	sbr.rel $0x88, $3  }
0x1: {  	(tag) =	ssettag $0x0;
	lr =	simm.s32 $0x1  }
0x2: {  	[smem:$0x3F9F] =	sst lr;
	_ =	strace $0xD0000000  }
0x3: {  	_ = 	snop  }
0x4: {  	_ = 	snop  }
0x5: {  	_ = 	snop  }
0x6: {  	_ = 	snop  }
0x7: {  	_ = 	snop  }
__scs_overlays_trampoline_lowered:
0x8: {  	[smem:$0x3FAE] =	sst s0  }
0x9: {  	[smem:$0x3FAF] =	sst s1  }
0xa: {  	[smem:$0x3FB0] =	sst s2  }
0xb: {  	[smem:$0x3FB1] =	sst s3  }
0xc: {  	[smem:$0x3FB2] =	sst s4  }
0xd: {  	[smem:$0x3FB3] =	sst s5  }
0xe: {  	[smem:$0x3FB4] =	sst s6  }
0xf: {  	[smem:$0x3FB5] =	sst s7  }
0x10: {  	[smem:$0x3FB6] =	sst s8  }
0x11: {  	[smem:$0x3FB7] =	sst s9;
	s0 =	simm.s32 @!p0 $0x0  }
0x12: {  	s1 =	sld [smem:$0x3F9D];
	s0 =	simm.s32 @p0 $0x1  }
0x13: {  	[smem:$0x3FB8] =	sst s0;
	s0 =	simm.s32 @!p1 $0x0  }
0x14: {  	s2 =	sld [smem:$0x3F9C];
	s0 =	simm.s32 @p1 $0x1  }
0x15: {  	[smem:$0x3FB9] =	sst s0;
	s0 =	simm.s32 @!p2 $0x0  }
0x16: {  	s3 =	sld [smem:$0x3FDB];
	s0 =	simm.s32 @p2 $0x1  }
0x17: {  	s4 =	simm.s32 $0x1BF5;
	[smem:$0x3FBB] =	sst s0  }
0x18: {  	s0 =	sld [smem:$0x3F9E];
	_ =	swait.ge [sflag:s4], $0x0  }
0x19: {  	s7 =	sld [smem:$0x3F9F]  }
0x1a: {  	s8 =	sadd.s32 $0xFFFFE003, lr  }
0x1b: {  	s9 =	sadd.s32 $0xFFFFFEF7, lr;
	s5 =	simm.s32 $0xFFFFFFFF;
	p2 =	slt.u32 s8, $0xFFFFF086  }
0x1c: {  	p1 =	slt.u32 s9, $0xF7A;
	s5 =	simm.s32 @!p2 $0x0  }
0x1d: {  	s5 =	simm.s32 @p1 $0x1;
	p0 =	seq.s32 s7, s2  }
0x1e: {  	s7 =	smul.u32 @!p0 $0xF7A, s2;
	p2 =	seq.s32 @!p0 s5, $0x0  }
0x1f: {  	s9 =	smul.u32 $0xF7A, s1;
	s8 =	simm.s32 @!p0 $0x1BF5;
	p2 =	por !p2, p0  }
0x20: {  	[sflag:s8] =	ssyncset.s32 @!p0 $0xFFFFF086;
	s6 =	sadd.s32 @!p0 s3, s7;
	s7 =	simm.s32 @!p0 $0x108  }
0x21: {  	s3 =	sadd.s32 s3, s9;
	s6 =	sadd.s32 @!p0 $0x88, s6;
	s7 =	simm.s32 @p2 $0x1082  }
0x22: {  	[simem:s7], [sflag:s8] =	dma.local @!p0 [hbm:s6], $0xF7A  }
0x23: {  	s9 =	sor.u32 $0xD0000000, s2;
	s6 =	simm.s32 $0x108;
	_ =	swait.ge @!p0 [sflag:s8], $0x0  }
0x24: {  	s3 =	sadd.s32 $0x88, s3;
	s6 =	simm.s32 @!p1 $0x1082;
	[sflag:s4] =	ssyncset.s32 $0xFFFFF086  }
0x25: {  	[simem:s6], [sflag:s4] =	dma.local [hbm:s3], $0xF7A  }
0x26: {  	[smem:$0x3F9F] =	sst s1;
	(tag) =	ssettag s2;
	_ =	strace s9  }
0x27: {  	s1 =	sld [smem:$0x3FAF]  }
0x28: {  	s2 =	sld [smem:$0x3FB0]  }
0x29: {  	s4 =	sld [smem:$0x3FB2]  }
0x2a: {  	p0 =	seq.s32 s5, $0x0;
	s5 =	sld [smem:$0x3FB3]  }
0x2b: {  	s6 =	sld [smem:$0x3FB4]  }
0x2c: {  	s7 =	sld [smem:$0x3FB5]  }
0x2d: {  	s3 =	simm.s32 $0x108;
	s8 =	sld [smem:$0x3FB6]  }
0x2e: {  	s3 =	simm.s32 @!p0 $0x1082;
	s9 =	sld [smem:$0x3FB7]  }
0x2f: {  	lr =	sadd.s32 s0, s3;
	s0 =	sld [smem:$0x3FAE]  }
0x30: {  	s3 =	sld [smem:$0x3FB1]  }
0x31: {  	[smem:$0x3FBA] =	sst s10  }
0x32: {  	s10 =	sld [smem:$0x3FB8];
	_ =	sdelay $0x3  }
0x33: {  	p0 =	seq.s32 s10, $0x1;
	s10 =	sld [smem:$0x3FBA];
	_ =	sdelay $0x3  }
0x34: {  	[smem:$0x3FBA] =	sst s10  }
0x35: {  	s10 =	sld [smem:$0x3FB9];
	_ =	sdelay $0x3  }
0x36: {  	p1 =	seq.s32 s10, $0x1;
	s10 =	sld [smem:$0x3FBA];
	_ =	sdelay $0x3  }
0x37: {  	[smem:$0x3FBA] =	sst s10  }
0x38: {  	s10 =	sld [smem:$0x3FBB]  }
0x39: {  	_ = 	snop;
	(pc) =	sbr.ind lr, $3  }
0x3a: {  	_ = 	snop  }
0x3b: {  	_ = 	snop  }
0x3c: {  	p2 =	seq.s32 s10, $0x1;
	s10 =	sld [smem:$0x3FBA]  }
0x3d: {  	_ =	shalt  }
0x3e: {  	_ =	shalt  }
0x3f: {  	_ =	shalt  }
0x40: {  	_ =	shalt  }
0x41: {  	_ =	shalt  }
0x42: {  	_ =	shalt  }
0x43: {  	_ =	shalt  }
0x44: {  	_ =	shalt  }
0x45: {  	_ =	shalt  }
0x46: {  	_ =	shalt  }
0x47: {  	_ =	shalt  }
0x48: {  	_ =	shalt  }
0x49: {  	_ =	shalt  }
0x4a: {  	_ =	shalt  }
0x4b: {  	_ =	shalt  }
0x4c: {  	_ =	shalt  }
0x4d: {  	_ =	shalt  }
0x4e: {  	_ =	shalt  }
0x4f: {  	_ =	shalt  }
0x50: {  	_ =	shalt  }
0x51: {  	_ =	shalt  }
0x52: {  	_ =	shalt  }
0x53: {  	_ =	shalt  }
0x54: {  	_ =	shalt  }
0x55: {  	_ =	shalt  }
0x56: {  	_ =	shalt  }
0x57: {  	_ =	shalt  }
0x58: {  	_ =	shalt  }
0x59: {  	_ =	shalt  }
0x5a: {  	_ =	shalt  }
0x5b: {  	_ =	shalt  }
0x5c: {  	_ =	shalt  }
0x5d: {  	_ =	shalt  }
0x5e: {  	_ =	shalt  }
0x5f: {  	_ =	shalt  }
0x60: {  	_ =	shalt  }
0x61: {  	_ =	shalt  }
0x62: {  	_ =	shalt  }
0x63: {  	_ =	shalt  }
0x64: {  	_ =	shalt  }
0x65: {  	_ =	shalt  }
0x66: {  	_ =	shalt  }
0x67: {  	_ =	shalt  }
0x68: {  	_ =	shalt  }
0x69: {  	_ =	shalt  }
0x6a: {  	_ =	shalt  }
0x6b: {  	_ =	shalt  }
0x6c: {  	_ =	shalt  }
0x6d: {  	_ =	shalt  }
0x6e: {  	_ =	shalt  }
0x6f: {  	_ =	shalt  }
0x70: {  	_ =	shalt  }
0x71: {  	_ =	shalt  }
0x72: {  	_ =	shalt  }
0x73: {  	_ =	shalt  }
0x74: {  	_ =	shalt  }
0x75: {  	_ =	shalt  }
0x76: {  	_ =	shalt  }
0x77: {  	_ =	shalt  }
0x78: {  	_ =	shalt  }
0x79: {  	_ =	shalt  }
0x7a: {  	_ =	shalt  }
0x7b: {  	_ =	shalt  }
0x7c: {  	_ =	shalt  }
0x7d: {  	_ =	shalt  }
0x7e: {  	_ =	shalt  }
0x7f: {  	_ =	shalt  }
0x80: {  	_ =	shalt  }
0x81: {  	_ =	shalt  }
0x82: {  	_ =	shalt  }
0x83: {  	_ =	shalt  }
0x84: {  	_ =	shalt  }
0x85: {  	_ =	shalt  }
0x86: {  	_ =	shalt  }
0x87: {  	_ =	shalt  }
.Lfunc_end0:
.L_simem_size_0:
called_computation_lowered:
.L_overlay_start_0:
0x88: {  	s2 =	sld [smem:$0x3FD9]  }
0x89: {  	s3 =	sld [smem:$0x3FFE];
	_ =	sdelay $0x1  }
0x8a: {  	s1 =	srdreg.scid  }
0x8b: {  	s0 =	sand.u32 $0x1, s1  }
0x8c: {  	s14 =	sshll.u32 s0, $0xA;
	s2 =	sadd.s32 s3, s2  }
0x8d: {  	s2 =	sadd.s32 s2, s14  }
0x8e: {  	[smem:$0x3FC6] =	sst s2  }
0x8f: {  	_ = 	snop  }
0x90: {  	s2 =	sld [smem:$0x3FD0];
	_ =	sdelay $0x2  }
0x91: {  	s15 =	simm.s32 $0xA;
	s4 =	simm.s32 $0x10  }
0x92: {  	[smem:s4], [sflag:s15] =	dma.local [hbm:s2], $0x1  }
0x93: {  	_ =	swait.eq [sflag:s15], $0x1  }
0x94: {  	[sflag:s15] =	ssyncset.done $0x0  }
0x95: {  	[sflag:s15] =	ssyncadd.s32 $0xFFFFFFFF  }
0x96: {  	s16 =	sld [smem:$0x10];
	(tm) =	ssettm $0x1  }
0x97: {  	s17 =	sld [smem:$0x3FFB];
	_ =	sdelay $0x3  }
0x98: {  	_ =	strace s17  }
0x99: {  	s3 =	sld [smem:$0x3FFC];
	_ =	sdelay $0x3  }
0x9a: {  	_ =	strace s3  }
0x9b: {  	s3 =	sld [smem:$0x3FFD];
	_ =	sdelay $0x3  }
0x9c: {  	_ =	strace s3  }
0x9d: {  	_ =	strace $0x8FFFFFFF  }
0x9e: {  	s18 =	sld [smem:$0x3FDB];
	_ =	sdelay $0x1  }
0x9f: {  	s19 =	simm.s32 $_scs_section_size  }
0xa0: {  	s5 =	simm.s32 $_size__tile_overlayer_lowered;
	s6 =	simm.s32 $_tile_overlayer_lowered  }
0xa1: {  	s22 =	simm.s32 $0x1BFF;
	s21 =	sshll.u32 s6, $0x1;
	s3 =	sadd.s32 s19, s18  }
0xa2: {  	s7 =	simm.s32 $0x0;
	s20 =	sshll.u32 s5, $0x1;
	s5 =	sadd.s32 s21, s3  }
0xa3: {  	[timem:s7], [sflag:s22] =	dma.local [hbm:s5], s20  }
0xa4: {  	_ =	swait.ge [sflag:s22], s20  }
0xa5: {  	s4 =	ssub.s32 $0x0, s20;
	[sflag:s22] =	ssyncset.done $0x0  }
0xa6: {  	[sflag:s22] =	ssyncadd.s32 s4;
	_ =	sdelay $0x1  }
0xa7: {  	s23 =	simm.s32 $0x1B8B  }
0xa8: {  	_ =	swait.ge [sflag:s23], $0x1  }
0xa9: {  	[sflag:s23] =	ssyncset.done $0x0  }
0xaa: {  	s25 =	simm.s32 $0x1B8E;
	s24 =	sld [smem:$0x3FFE];
	[sflag:s23] =	ssyncadd.s32 $0xFFFFFFFF  }
0xab: {  	s26 =	simm.s32 $execute0_lowered;
	[smem:$0x3FD2] =	sst s25  }
0xac: {  	s5 =	sshll.u32 s26, $0x1;
	_ =	strace $0x80000046;
	[dreg:$0x1] =	wrdreg $0xFFFFFFFF  }
0xad: {  	s28 =	simm.s32 $_size_execute0_lowered;
	s3 =	sadd.s32 s3, s5;
	[dreg:$0x0] =	wrdreg $0x0  }
0xae: {  	s5 =	sshll.u32 s28, $0x1;
	[dreg:$0x2] =	wrdreg s3  }
0xaf: {  	[dreg:$0x3] =	wrdreg s5  }
0xb0: {  	[dreg:$0x4] =	wrdreg $0xC0  }
0xb1: {  	_ =	task [dreg:s7], $0x5FFFF  }
0xb2: {  	[dreg:$0x1] =	wrdreg $0xFFFFFFFF  }
0xb3: {  	[dreg:$0x0] =	wrdreg $0x60  }
0xb4: {  	[dreg:$0x2] =	wrdreg s24  }
0xb5: {  	[dreg:$0x3] =	wrdreg s16  }
0xb6: {  	[dreg:$0x4] =	wrdreg $0x9  }
0xb7: {  	_ =	task.clear_ibuf [dreg:s7], $0x5FFFF;
	_ =	strace $0x90000046  }
0xb8: {  	s29 =	simm.s32 $0x9;
	_ =	strace $0x80000048  }
0xb9: {  	_ =	swait.ge [sflag:s29], $0x1  }
0xba: {  	[sflag:s29] =	ssyncadd.s32 $0xFFFFFFFF  }
0xbb: {  	_ =	strace $0x90000048  }
0xbc: {  	_ =	sfence  }
0xbd: {  	s30 =	sld [smem:$0x0];
	_ =	sdelay $0x2  }
0xbe: {  	s31 =	sshll.u32 s1, $0xD;
	s1 =	sshrl.u32 s1, $0x2  }
0xbf: {  	s3 =	sand.u32 $0x4000, s31;
	s1 =	sadd.s32 s1, s30  }
0xc0: {  	s0 =	sor.u32 s3, s0;
	s1 =	sshll.u32 s1, $0x11  }
0xc1: {  	s0 =	sor.u32 s1, s0  }
0xc2: {  	s0 =	sadd.s32 $0x8F2B, s0  }
0xc3: {  	[sflag:s0] =	ssyncadd.remote.s32 $0x1  }
0xc4: {  	_ =	sfence.sel $0xFFFF  }
0xc5: {  	[dreg:$0x0] =	wrdreg $0xFFFFFFFF;
	(pc) =	sbr.abs _section_cstart, $3  }
0xc6: {  	[dreg:$0x1] =	wrdreg $0xFFFFFFFF  }
0xc7: {  	_ =	task.clear_ibuf [dreg:s7], $0x2FFFF;
	_ =	strace $0x9FFFFFFF  }
0xc8: {  	(tm) =	ssettm $0x7FFFFFFF  }
0xc9: {  	_ =	shalt  }
tec
execute0_lowered:
.L_overlay_start_1:
0x0: {  	(tag) =	ssettag $0x1  }
0x1: {  	s4 =	rddreg [dreg:$0x0];
	s1 =	srdreg.scid  }
0x2: {  	s0 =	stileid.u32;
	s2 =	rddreg [dreg:$0x1];
	s3 =	simm.s32 $0x0  }
0x3: {  	s11 =	simm.s32 $0x200;
	s12 =	simm.s32 $0x1;
	s13 =	simm.s32 $0x180  }
0x4: {  	s14 =	simm.s32 $0x4200;
	s15 =	simm.s32 $0x800;
	s16 =	simm.s32 $0x10000  }
0x5: {  	s17 =	simm.s32 $0x8200;
	s18 =	simm.s32 $0xA200;
	s19 =	simm.s32 $0x400  }
0x6: {  	s20 =	simm.s32 $0x0;
	s5 =	sand.u32 $0x1, s1;
	s1 =	rddreg [dreg:$0x2]  }
0x7: {  	s6 =	sshll.u32 s0, $0x1;
	[smem:$0x7FF] =	sst s3;
	s9 =	sshll.u32 s0, $0xB  }
0x8: {  	s6 =	sor.u32 s5, s6;
	_ =	strace $0x80000047;
	s5 =	ssub.s32 $0x2, s5  }
0x9: {  	s9 =	sand.u32 $0x6000, s9;
	s7 =	sshll.u32 s6, $0x5;
	s8 =	sshll.u32 s6, $0x8  }
0xa: {  	s10 =	sshrl.u32 s5, $0x1;
	s6 =	sshll.u32 s6, $0x4;
	s9 =	sadd.s32 s9, s4  }
0xb: {  	s7 =	sadd.s32 s7, s4;
	s8 =	sadd.s32 s8, s4;
	s10 =	ssub.s32 s5, s10  }
0xc: {  	s6 =	sand.u32 $0x70, s6;
	s4 =	sadd.s32 $0x1200, s7;
	s5 =	sadd.s32 $0x1600, s8  }
0xd: {  	v0 =	vlaneseq.u32;
	s6 =	sadd.s32 s6, s9;
	s7 =	smax.u32 s10, $0x1;
	s8 =	simm.s32 $0x2  }
0xe: {  	v1 =	vimm.f32 $0.0e+00;
	v2 =	vimm.f32 $1.000000000e+00;
	v0 =	vmul.u32 $0x80, v0;
	s9 =	simm.s32 $0x80;
	s10 =	simm.s32 $0x100;
	s6 =	sadd.s32 $0x9600, s6  }
.LBB2_1:
0xf: {  	[tilespmem:s3], [sflag:$0x2] =	stream.linear.gather [hbm4b:s4+s3], $0x100, $0x38;
	[tilespmem:$0xC200] =	vst v63  }
0x10: {  	_ =	swait.ge [sflag:s8], $0x100  }
0x11: {  	[sflag:s8] =	ssyncset.done $0x0  }
0x12: {  	[sflag:s8] =	ssyncadd.s32 $0xFFFFFF00  }
0x13: {  	v3 =	vld [tilespmem:$0x0]  }
0x14: {  	v4 =	vld [tilespmem:$0x10]  }
0x15: {  	v5 =	vld [tilespmem:$0x20]  }
0x16: {  	v6 =	vld [tilespmem:$0x30]  }
0x17: {  	v7 =	vld [tilespmem:$0x40]  }
0x18: {  	v8 =	vld [tilespmem:$0x50];
	v3 =	vshrl.u32 v3, $0x2  }
0x19: {  	[tilespmem:$0x100] =	vst v3;
	v3 =	vshrl.u32 v4, $0x2;
	v4 =	vld [tilespmem:$0x60]  }
0x1a: {  	[tilespmem:$0x110] =	vst v3;
	v3 =	vshrl.u32 v5, $0x2;
	v5 =	vld [tilespmem:$0x70]  }
0x1b: {  	v58 =	vld [tilespmem:$0x80];
	[tilespmem:$0x120] =	vst v3;
	v3 =	vshrl.u32 v6, $0x2  }
0x1c: {  	v59 =	vld [tilespmem:$0x90];
	[tilespmem:$0x130] =	vst v3;
	v3 =	vshrl.u32 v7, $0x2  }
0x1d: {  	v60 =	vld [tilespmem:$0xA0];
	[tilespmem:$0x140] =	vst v3;
	v3 =	vshrl.u32 v8, $0x2  }
0x1e: {  	[tilespmem:$0x150] =	vst v3;
	v3 =	vshrl.u32 v4, $0x2;
	v4 =	vld [tilespmem:$0xB0]  }
0x1f: {  	[tilespmem:$0x160] =	vst v3;
	v3 =	vshrl.u32 v5, $0x2;
	v5 =	vld [tilespmem:$0xC0]  }
0x20: {  	v61 =	vld [tilespmem:$0xD0];
	[tilespmem:$0x170] =	vst v3;
	v3 =	vshrl.u32 v58, $0x2  }
0x21: {  	v62 =	vld [tilespmem:$0xE0];
	[tilespmem:$0x180] =	vst v3;
	v3 =	vshrl.u32 v59, $0x2  }
0x22: {  	v63 =	vld [tilespmem:$0xF0];
	[tilespmem:$0x190] =	vst v3;
	v3 =	vshrl.u32 v60, $0x2  }
0x23: {  	[tilespmem:$0x1A0] =	vst v3;
	v3 =	vshrl.u32 v4, $0x2  }
0x24: {  	[tilespmem:$0x1B0] =	vst v3;
	v3 =	vshrl.u32 v5, $0x2  }
0x25: {  	[tilespmem:$0x1C0] =	vst v3;
	v3 =	vshrl.u32 v61, $0x2  }
0x26: {  	[tilespmem:$0x1D0] =	vst v3;
	v3 =	vshrl.u32 v62, $0x2  }
0x27: {  	[tilespmem:$0x1E0] =	vst v3;
	v3 =	vshrl.u32 v63, $0x2  }
0x28: {  	[tilespmem:$0x1F0] =	vst v3  }
0x29: {  	[tilespmem:s11], [sflag:$0x1] =	stream.indirect.gather [hbm4b:s2+s9], $0x80, s10, s9, $0xb8;
	[tilespmem:$0xC200] =	vst v63  }
0x2a: {  	_ =	swait.ge [sflag:s12], $0x4000  }
0x2b: {  	[sflag:s12] =	ssyncset.done $0x0  }
0x2c: {  	[sflag:s12] =	ssyncadd.s32 $0xFFFFC000  }
0x2d: {  	[tilespmem:s14], [sflag:$0x1] =	stream.indirect.gather [hbm4b:s2+s9], $0x80, s13, s9, $0xb8;
	[tilespmem:$0xC200] =	vst v63  }
0x2e: {  	_ =	swait.ge [sflag:s12], $0x4000  }
0x2f: {  	[sflag:s12] =	ssyncset.done $0x0  }
0x30: {  	[sflag:s12] =	ssyncadd.s32 $0xFFFFC000  }
0x31: {  	v3 =	vld [tilespmem:s3+$0x0];
	_ =	sdelay $0x3  }
0x32: {  	v4 =	vmov s3  }
0x33: {  	v4 =	vshll.u32 v4, $0x7;
	v3 =	vshll.u32 v3, $0x5  }
0x34: {  	v4 =	vor.u32 v0, v4;
	v3 =	vand.u32 $0x60, v3  }
0x35: {  	v3 =	vor.u32 v4, v3;
	_ =	sdelay $0x4  }
0x36: {  	v4 =	vld.idx.msk [tilespmem:v3+s11+$0x0], $0xffff  }
0x37: {  	v5 =	vor.u32 $0x1, v3;
	_ =	sdelay $0x1  }
0x38: {  	s21 =	sand.u32 $0x70, s3;
	s22 =	sand.u32 $0x400, s3  }
0x39: {  	s21 =	sor.u32 s21, s22  }
0x3a: {  	[tilespmem:s21+$0x8200] =	vst v4  }
0x3b: {  	v4 =	vld.idx.msk [tilespmem:v5+s11+$0x0], $0xffff  }
0x3c: {  	v5 =	vor.u32 $0x2, v3;
	_ =	sdelay $0x3  }
0x3d: {  	[tilespmem:s21+$0x8280] =	vst v4  }
0x3e: {  	v4 =	vld.idx.msk [tilespmem:v5+s11+$0x0], $0xffff  }
0x3f: {  	v5 =	vor.u32 $0x3, v3;
	_ =	sdelay $0x3  }
0x40: {  	[tilespmem:s21+$0x8300] =	vst v4  }
0x41: {  	v4 =	vld.idx.msk [tilespmem:v5+s11+$0x0], $0xffff  }
0x42: {  	v5 =	vor.u32 $0x4, v3;
	_ =	sdelay $0x3  }
0x43: {  	[tilespmem:s21+$0x8380] =	vst v4  }
0x44: {  	v4 =	vld.idx.msk [tilespmem:v5+s11+$0x0], $0xffff  }
0x45: {  	v5 =	vor.u32 $0x5, v3;
	_ =	sdelay $0x3  }
0x46: {  	[tilespmem:s21+$0x8400] =	vst v4  }
0x47: {  	v4 =	vld.idx.msk [tilespmem:v5+s11+$0x0], $0xffff  }
0x48: {  	v5 =	vor.u32 $0x6, v3;
	_ =	sdelay $0x3  }
0x49: {  	[tilespmem:s21+$0x8480] =	vst v4  }
0x4a: {  	v4 =	vld.idx.msk [tilespmem:v5+s11+$0x0], $0xffff  }
0x4b: {  	v5 =	vor.u32 $0x7, v3;
	_ =	sdelay $0x3  }
0x4c: {  	[tilespmem:s21+$0x8500] =	vst v4  }
0x4d: {  	v4 =	vld.idx.msk [tilespmem:v5+s11+$0x0], $0xffff  }
0x4e: {  	v5 =	vor.u32 $0x8, v3;
	_ =	sdelay $0x1  }
0x4f: {  	s31 =	sor.u32 s3, s3  }
0x50: {  	s22 =	sor.u32 $0x380, s31  }
0x51: {  	[tilespmem:s22+$0x8200] =	vst v4  }
0x52: {  	v4 =	vld.idx.msk [tilespmem:v5+s11+$0x0], $0xffff  }
0x53: {  	v5 =	vor.u32 $0x9, v3;
	_ =	sdelay $0x3  }
0x54: {  	[tilespmem:s21+$0x8A00] =	vst v4  }
0x55: {  	v4 =	vld.idx.msk [tilespmem:v5+s11+$0x0], $0xffff  }
0x56: {  	v5 =	vor.u32 $0xA, v3;
	_ =	sdelay $0x3  }
0x57: {  	[tilespmem:s21+$0x8A80] =	vst v4  }
0x58: {  	v4 =	vld.idx.msk [tilespmem:v5+s11+$0x0], $0xffff  }
0x59: {  	v5 =	vor.u32 $0xB, v3;
	_ =	sdelay $0x3  }
0x5a: {  	[tilespmem:s21+$0x8B00] =	vst v4  }
0x5b: {  	v4 =	vld.idx.msk [tilespmem:v5+s11+$0x0], $0xffff  }
0x5c: {  	v5 =	vor.u32 $0xC, v3;
	_ =	sdelay $0x3  }
0x5d: {  	[tilespmem:s21+$0x8B80] =	vst v4  }
0x5e: {  	v4 =	vld.idx.msk [tilespmem:v5+s11+$0x0], $0xffff  }
0x5f: {  	v5 =	vor.u32 $0xD, v3;
	_ =	sdelay $0x3  }
0x60: {  	[tilespmem:s21+$0x8C00] =	vst v4  }
0x61: {  	v4 =	vld.idx.msk [tilespmem:v5+s11+$0x0], $0xffff  }
0x62: {  	v5 =	vor.u32 $0xE, v3;
	_ =	sdelay $0x3  }
0x63: {  	[tilespmem:s21+$0x8C80] =	vst v4  }
0x64: {  	v4 =	vld.idx.msk [tilespmem:v5+s11+$0x0], $0xffff  }
0x65: {  	v5 =	vor.u32 $0xF, v3;
	_ =	sdelay $0x3  }
0x66: {  	[tilespmem:s21+$0x8D00] =	vst v4  }
0x67: {  	v4 =	vld.idx.msk [tilespmem:v5+s11+$0x0], $0xffff  }
0x68: {  	v5 =	vor.u32 $0x10, v3;
	_ =	sdelay $0x3  }
0x69: {  	[tilespmem:s21+$0x8D80] =	vst v4  }
0x6a: {  	v4 =	vld.idx.msk [tilespmem:v5+s11+$0x0], $0xffff  }
0x6b: {  	v5 =	vor.u32 $0x11, v3;
	_ =	sdelay $0x3  }
0x6c: {  	[tilespmem:s21+$0x9200] =	vst v4  }
0x6d: {  	v4 =	vld.idx.msk [tilespmem:v5+s11+$0x0], $0xffff  }
0x6e: {  	v5 =	vor.u32 $0x12, v3;
	_ =	sdelay $0x3  }
0x6f: {  	[tilespmem:s21+$0x9280] =	vst v4  }
0x70: {  	v4 =	vld.idx.msk [tilespmem:v5+s11+$0x0], $0xffff  }
0x71: {  	v5 =	vor.u32 $0x13, v3;
	_ =	sdelay $0x3  }
0x72: {  	[tilespmem:s21+$0x9300] =	vst v4  }
0x73: {  	v4 =	vld.idx.msk [tilespmem:v5+s11+$0x0], $0xffff  }
0x74: {  	v5 =	vor.u32 $0x14, v3;
	_ =	sdelay $0x3  }
0x75: {  	[tilespmem:s21+$0x9380] =	vst v4  }
0x76: {  	v4 =	vld.idx.msk [tilespmem:v5+s11+$0x0], $0xffff  }
0x77: {  	v5 =	vor.u32 $0x15, v3;
	_ =	sdelay $0x3  }
0x78: {  	[tilespmem:s21+$0x9400] =	vst v4  }
0x79: {  	v4 =	vld.idx.msk [tilespmem:v5+s11+$0x0], $0xffff  }
0x7a: {  	v5 =	vor.u32 $0x16, v3;
	_ =	sdelay $0x3  }
0x7b: {  	[tilespmem:s21+$0x9480] =	vst v4  }
0x7c: {  	v4 =	vld.idx.msk [tilespmem:v5+s11+$0x0], $0xffff  }
0x7d: {  	v5 =	vor.u32 $0x17, v3;
	_ =	sdelay $0x3  }
0x7e: {  	[tilespmem:s21+$0x9500] =	vst v4  }
0x7f: {  	v4 =	vld.idx.msk [tilespmem:v5+s11+$0x0], $0xffff  }
0x80: {  	v5 =	vor.u32 $0x18, v3;
	_ =	sdelay $0x3  }
0x81: {  	[tilespmem:s21+$0x9580] =	vst v4  }
0x82: {  	v4 =	vld.idx.msk [tilespmem:v5+s11+$0x0], $0xffff  }
0x83: {  	v5 =	vor.u32 $0x19, v3;
	_ =	sdelay $0x3  }
0x84: {  	[tilespmem:s21+$0x9A00] =	vst v4  }
0x85: {  	v4 =	vld.idx.msk [tilespmem:v5+s11+$0x0], $0xffff  }
0x86: {  	v5 =	vor.u32 $0x1A, v3;
	_ =	sdelay $0x3  }
0x87: {  	[tilespmem:s21+$0x9A80] =	vst v4  }
0x88: {  	v4 =	vld.idx.msk [tilespmem:v5+s11+$0x0], $0xffff  }
0x89: {  	v5 =	vor.u32 $0x1B, v3;
	_ =	sdelay $0x3  }
0x8a: {  	[tilespmem:s21+$0x9B00] =	vst v4  }
0x8b: {  	v4 =	vld.idx.msk [tilespmem:v5+s11+$0x0], $0xffff  }
0x8c: {  	v5 =	vor.u32 $0x1C, v3;
	_ =	sdelay $0x3  }
0x8d: {  	[tilespmem:s21+$0x9B80] =	vst v4  }
0x8e: {  	v4 =	vld.idx.msk [tilespmem:v5+s11+$0x0], $0xffff  }
0x8f: {  	v5 =	vor.u32 $0x1D, v3;
	_ =	sdelay $0x3  }
0x90: {  	[tilespmem:s21+$0x9C00] =	vst v4  }
0x91: {  	v4 =	vld.idx.msk [tilespmem:v5+s11+$0x0], $0xffff  }
0x92: {  	v5 =	vor.u32 $0x1E, v3;
	_ =	sdelay $0x3  }
0x93: {  	[tilespmem:s21+$0x9C80] =	vst v4  }
0x94: {  	v4 =	vld.idx.msk [tilespmem:v5+s11+$0x0], $0xffff  }
0x95: {  	v3 =	vor.u32 $0x1F, v3;
	_ =	sdelay $0x3  }
0x96: {  	[tilespmem:s21+$0x9D00] =	vst v4  }
0x97: {  	s23 =	simm.s32 $0x0;
	s24 =	simm.s32 $0x0;
	s22 =	simm.s32 $0x10;
	v3 =	vld.idx.msk [tilespmem:v3+s11+$0x0], $0xffff  }
.LBB2_2:
0x98: {  	_ =	sdelay $0x3  }
0x99: {  	p0 =	sne.s32 s22, $0xF0;
	s23 =	sadd.s32 $0x80, s23;
	s24 =	sadd.s32 $0x10, s24;
	[tilespmem:s21+$0x9D80] =	vst v3  }
0x9a: {  	s25 =	smov.u32 s22;
	s22 =	sadd.s32 $0x10, s22;
	v3 =	vld [tilespmem:s24+$0x0];
	_ =	sdelay $0x3  }
0x9b: {  	v4 =	vmov s25  }
0x9c: {  	v4 =	vshll.u32 v4, $0x7;
	v3 =	vshll.u32 v3, $0x5  }
0x9d: {  	v4 =	vor.u32 v0, v4;
	v3 =	vand.u32 $0x60, v3  }
0x9e: {  	v3 =	vor.u32 v4, v3;
	_ =	sdelay $0x4  }
0x9f: {  	v4 =	vld.idx.msk [tilespmem:v3+s11+$0x0], $0xffff;
	_ =	sdelay $0x1  }
0xa0: {  	v5 =	vor.u32 $0x1, v3;
	_ =	sdelay $0x1  }
0xa1: {  	s26 =	sand.u32 $0x400, s23;
	s21 =	sand.u32 $0x70, s25  }
0xa2: {  	s21 =	sor.u32 s21, s26  }
0xa3: {  	[tilespmem:s21+$0x8200] =	vst v4  }
0xa4: {  	v4 =	vld.idx.msk [tilespmem:v5+s11+$0x0], $0xffff;
	_ =	sdelay $0x1  }
0xa5: {  	v5 =	vor.u32 $0x2, v3;
	_ =	sdelay $0x3  }
0xa6: {  	[tilespmem:s21+$0x8280] =	vst v4  }
0xa7: {  	v4 =	vld.idx.msk [tilespmem:v5+s11+$0x0], $0xffff;
	_ =	sdelay $0x1  }
0xa8: {  	v5 =	vor.u32 $0x3, v3;
	_ =	sdelay $0x3  }
0xa9: {  	[tilespmem:s21+$0x8300] =	vst v4  }
0xaa: {  	v4 =	vld.idx.msk [tilespmem:v5+s11+$0x0], $0xffff;
	_ =	sdelay $0x1  }
0xab: {  	v5 =	vor.u32 $0x4, v3;
	_ =	sdelay $0x3  }
0xac: {  	[tilespmem:s21+$0x8380] =	vst v4  }
0xad: {  	v4 =	vld.idx.msk [tilespmem:v5+s11+$0x0], $0xffff;
	_ =	sdelay $0x1  }
0xae: {  	v5 =	vor.u32 $0x5, v3;
	_ =	sdelay $0x3  }
0xaf: {  	[tilespmem:s21+$0x8400] =	vst v4  }
0xb0: {  	v4 =	vld.idx.msk [tilespmem:v5+s11+$0x0], $0xffff;
	_ =	sdelay $0x1  }
0xb1: {  	v5 =	vor.u32 $0x6, v3;
	_ =	sdelay $0x3  }
0xb2: {  	[tilespmem:s21+$0x8480] =	vst v4  }
0xb3: {  	v4 =	vld.idx.msk [tilespmem:v5+s11+$0x0], $0xffff;
	_ =	sdelay $0x1  }
0xb4: {  	v5 =	vor.u32 $0x7, v3;
	_ =	sdelay $0x3  }
0xb5: {  	[tilespmem:s21+$0x8500] =	vst v4  }
0xb6: {  	v4 =	vld.idx.msk [tilespmem:v5+s11+$0x0], $0xffff;
	_ =	sdelay $0x1  }
0xb7: {  	v5 =	vor.u32 $0x8, v3;
	_ =	sdelay $0x1  }
0xb8: {  	s25 =	sor.u32 s23, s25  }
0xb9: {  	s25 =	sor.u32 $0x380, s25  }
0xba: {  	[tilespmem:s25+$0x8200] =	vst v4  }
0xbb: {  	v4 =	vld.idx.msk [tilespmem:v5+s11+$0x0], $0xffff;
	_ =	sdelay $0x1  }
0xbc: {  	v5 =	vor.u32 $0x9, v3;
	_ =	sdelay $0x3  }
0xbd: {  	[tilespmem:s21+$0x8A00] =	vst v4  }
0xbe: {  	v4 =	vld.idx.msk [tilespmem:v5+s11+$0x0], $0xffff;
	_ =	sdelay $0x1  }
0xbf: {  	v5 =	vor.u32 $0xA, v3;
	_ =	sdelay $0x3  }
0xc0: {  	[tilespmem:s21+$0x8A80] =	vst v4  }
0xc1: {  	v4 =	vld.idx.msk [tilespmem:v5+s11+$0x0], $0xffff;
	_ =	sdelay $0x1  }
0xc2: {  	v5 =	vor.u32 $0xB, v3;
	_ =	sdelay $0x3  }
0xc3: {  	[tilespmem:s21+$0x8B00] =	vst v4  }
0xc4: {  	v4 =	vld.idx.msk [tilespmem:v5+s11+$0x0], $0xffff;
	_ =	sdelay $0x1  }
0xc5: {  	v5 =	vor.u32 $0xC, v3;
	_ =	sdelay $0x3  }
0xc6: {  	[tilespmem:s21+$0x8B80] =	vst v4  }
0xc7: {  	v4 =	vld.idx.msk [tilespmem:v5+s11+$0x0], $0xffff;
	_ =	sdelay $0x1  }
0xc8: {  	v5 =	vor.u32 $0xD, v3;
	_ =	sdelay $0x3  }
0xc9: {  	[tilespmem:s21+$0x8C00] =	vst v4  }
0xca: {  	v4 =	vld.idx.msk [tilespmem:v5+s11+$0x0], $0xffff;
	_ =	sdelay $0x1  }
0xcb: {  	v5 =	vor.u32 $0xE, v3;
	_ =	sdelay $0x3  }
0xcc: {  	[tilespmem:s21+$0x8C80] =	vst v4  }
0xcd: {  	v4 =	vld.idx.msk [tilespmem:v5+s11+$0x0], $0xffff;
	_ =	sdelay $0x1  }
0xce: {  	v5 =	vor.u32 $0xF, v3;
	_ =	sdelay $0x3  }
0xcf: {  	[tilespmem:s21+$0x8D00] =	vst v4  }
0xd0: {  	v4 =	vld.idx.msk [tilespmem:v5+s11+$0x0], $0xffff;
	_ =	sdelay $0x1  }
0xd1: {  	v5 =	vor.u32 $0x10, v3;
	_ =	sdelay $0x3  }
0xd2: {  	[tilespmem:s21+$0x8D80] =	vst v4  }
0xd3: {  	v4 =	vld.idx.msk [tilespmem:v5+s11+$0x0], $0xffff;
	_ =	sdelay $0x1  }
0xd4: {  	v5 =	vor.u32 $0x11, v3;
	_ =	sdelay $0x3  }
0xd5: {  	[tilespmem:s21+$0x9200] =	vst v4  }
0xd6: {  	v4 =	vld.idx.msk [tilespmem:v5+s11+$0x0], $0xffff;
	_ =	sdelay $0x1  }
0xd7: {  	v5 =	vor.u32 $0x12, v3;
	_ =	sdelay $0x3  }
0xd8: {  	[tilespmem:s21+$0x9280] =	vst v4  }
0xd9: {  	v4 =	vld.idx.msk [tilespmem:v5+s11+$0x0], $0xffff;
	_ =	sdelay $0x1  }
0xda: {  	v5 =	vor.u32 $0x13, v3;
	_ =	sdelay $0x3  }
0xdb: {  	[tilespmem:s21+$0x9300] =	vst v4  }
0xdc: {  	v4 =	vld.idx.msk [tilespmem:v5+s11+$0x0], $0xffff;
	_ =	sdelay $0x1  }
0xdd: {  	v5 =	vor.u32 $0x14, v3;
	_ =	sdelay $0x3  }
0xde: {  	[tilespmem:s21+$0x9380] =	vst v4  }
0xdf: {  	v4 =	vld.idx.msk [tilespmem:v5+s11+$0x0], $0xffff;
	_ =	sdelay $0x1  }
0xe0: {  	v5 =	vor.u32 $0x15, v3;
	_ =	sdelay $0x3  }
0xe1: {  	[tilespmem:s21+$0x9400] =	vst v4  }
0xe2: {  	v4 =	vld.idx.msk [tilespmem:v5+s11+$0x0], $0xffff;
	_ =	sdelay $0x1  }
0xe3: {  	v5 =	vor.u32 $0x16, v3;
	_ =	sdelay $0x3  }
0xe4: {  	[tilespmem:s21+$0x9480] =	vst v4  }
0xe5: {  	v4 =	vld.idx.msk [tilespmem:v5+s11+$0x0], $0xffff;
	_ =	sdelay $0x1  }
0xe6: {  	v5 =	vor.u32 $0x17, v3;
	_ =	sdelay $0x3  }
0xe7: {  	[tilespmem:s21+$0x9500] =	vst v4  }
0xe8: {  	v4 =	vld.idx.msk [tilespmem:v5+s11+$0x0], $0xffff;
	_ =	sdelay $0x1  }
0xe9: {  	v5 =	vor.u32 $0x18, v3;
	_ =	sdelay $0x3  }
0xea: {  	[tilespmem:s21+$0x9580] =	vst v4  }
0xeb: {  	v4 =	vld.idx.msk [tilespmem:v5+s11+$0x0], $0xffff;
	_ =	sdelay $0x1  }
0xec: {  	v5 =	vor.u32 $0x19, v3;
	_ =	sdelay $0x3  }
0xed: {  	[tilespmem:s21+$0x9A00] =	vst v4  }
0xee: {  	v4 =	vld.idx.msk [tilespmem:v5+s11+$0x0], $0xffff;
	_ =	sdelay $0x1  }
0xef: {  	v5 =	vor.u32 $0x1A, v3;
	_ =	sdelay $0x3  }
0xf0: {  	[tilespmem:s21+$0x9A80] =	vst v4  }
0xf1: {  	v4 =	vld.idx.msk [tilespmem:v5+s11+$0x0], $0xffff;
	_ =	sdelay $0x1  }
0xf2: {  	v5 =	vor.u32 $0x1B, v3;
	_ =	sdelay $0x3  }
0xf3: {  	[tilespmem:s21+$0x9B00] =	vst v4  }
0xf4: {  	v4 =	vld.idx.msk [tilespmem:v5+s11+$0x0], $0xffff;
	_ =	sdelay $0x1  }
0xf5: {  	v5 =	vor.u32 $0x1C, v3;
	_ =	sdelay $0x3  }
0xf6: {  	[tilespmem:s21+$0x9B80] =	vst v4  }
0xf7: {  	v4 =	vld.idx.msk [tilespmem:v5+s11+$0x0], $0xffff;
	_ =	sdelay $0x1  }
0xf8: {  	v5 =	vor.u32 $0x1D, v3;
	_ =	sdelay $0x3  }
0xf9: {  	[tilespmem:s21+$0x9C00] =	vst v4  }
0xfa: {  	v4 =	vld.idx.msk [tilespmem:v5+s11+$0x0], $0xffff;
	_ =	sdelay $0x1  }
0xfb: {  	v5 =	vor.u32 $0x1E, v3;
	_ =	sdelay $0x3  }
0xfc: {  	[tilespmem:s21+$0x9C80] =	vst v4  }
0xfd: {  	v4 =	vld.idx.msk [tilespmem:v5+s11+$0x0], $0xffff;
	_ =	sdelay $0x1  }
0xfe: {  	v3 =	vor.u32 $0x1F, v3  }
.Ltmp0:
0xff: {  	(pc) =	sbr.rel @p0 .LBB2_2-.Ltmp0, $3  }
0x100: {  	_ =	sdelay $0x1  }
0x101: {  	[tilespmem:s21+$0x9D00] =	vst v4  }
0x102: {  	v3 =	vld.idx.msk [tilespmem:v3+s11+$0x0], $0xffff  }
0x103: {  	_ =	sdelay $0x3  }
0x104: {  	[tilespmem:s21+$0x9D80] =	vst v3  }
0x105: {  	[hbm4b:s5+s15] =	stream.strided.scatter [tilespmem:s17], [sflag:$0x2], $0x2000, s16, s15, $0x38;
	[tilespmem:$0xC200] =	vst v63  }
0x106: {  	_ =	swait.ge [sflag:s8], $0x2000  }
0x107: {  	[sflag:s8] =	ssyncset.done $0x0  }
0x108: {  	s22 =	simm.s32 $0x0;
	s21 =	simm.s32 $0x40;
	[sflag:s8] =	ssyncadd.s32 $0xFFFFE000  }
.LBB2_4:
0x109: {  	p0 =	sne.s32 s21, $0x7FC0;
	[tilespmem:s22+$0xA200] =	vst v1;
	s22 =	smov.u32 s21;
	s21 =	sadd.s32 $0x40, s21  }
.Ltmp1:
0x10a: {  	(pc) =	sbr.rel @p0 .LBB2_4-.Ltmp1, $2  }
0x10b: {  	_ =	sdelay $0x2  }
0x10c: {  	s22 =	sshra.s32 s22, $0x2  }
0x10d: {  	[tilespmem:s22+$0xA200] =	vst v1  }
0x10e: {  	v3 =	vld [tilespmem:$0x0];
	_ =	sdelay $0x7  }
0x10f: {  	[tilespmem:v3+s18+$0x0] =	vst.idx.add.f32.msk $0xffff, v2  }
0x110: {  	v3 =	vld [tilespmem:$0x10];
	_ =	sdelay $0x7  }
0x111: {  	[tilespmem:v3+s18+$0x0] =	vst.idx.add.f32.msk $0xffff, v2  }
0x112: {  	v3 =	vld [tilespmem:$0x20];
	_ =	sdelay $0x7  }
0x113: {  	[tilespmem:v3+s18+$0x0] =	vst.idx.add.f32.msk $0xffff, v2  }
0x114: {  	v3 =	vld [tilespmem:$0x30];
	_ =	sdelay $0x7  }
0x115: {  	[tilespmem:v3+s18+$0x0] =	vst.idx.add.f32.msk $0xffff, v2  }
0x116: {  	v3 =	vld [tilespmem:$0x40];
	_ =	sdelay $0x7  }
0x117: {  	[tilespmem:v3+s18+$0x0] =	vst.idx.add.f32.msk $0xffff, v2  }
0x118: {  	v3 =	vld [tilespmem:$0x50];
	_ =	sdelay $0x7  }
0x119: {  	[tilespmem:v3+s18+$0x0] =	vst.idx.add.f32.msk $0xffff, v2  }
0x11a: {  	v3 =	vld [tilespmem:$0x60];
	_ =	sdelay $0x7  }
0x11b: {  	[tilespmem:v3+s18+$0x0] =	vst.idx.add.f32.msk $0xffff, v2  }
0x11c: {  	v3 =	vld [tilespmem:$0x70];
	_ =	sdelay $0x7  }
0x11d: {  	[tilespmem:v3+s18+$0x0] =	vst.idx.add.f32.msk $0xffff, v2  }
0x11e: {  	v3 =	vld [tilespmem:$0x80];
	_ =	sdelay $0x7  }
0x11f: {  	[tilespmem:v3+s18+$0x0] =	vst.idx.add.f32.msk $0xffff, v2  }
0x120: {  	v3 =	vld [tilespmem:$0x90];
	_ =	sdelay $0x7  }
0x121: {  	[tilespmem:v3+s18+$0x0] =	vst.idx.add.f32.msk $0xffff, v2  }
0x122: {  	v3 =	vld [tilespmem:$0xA0];
	_ =	sdelay $0x7  }
0x123: {  	[tilespmem:v3+s18+$0x0] =	vst.idx.add.f32.msk $0xffff, v2  }
0x124: {  	v3 =	vld [tilespmem:$0xB0];
	_ =	sdelay $0x7  }
0x125: {  	[tilespmem:v3+s18+$0x0] =	vst.idx.add.f32.msk $0xffff, v2  }
0x126: {  	v3 =	vld [tilespmem:$0xC0];
	_ =	sdelay $0x7  }
0x127: {  	[tilespmem:v3+s18+$0x0] =	vst.idx.add.f32.msk $0xffff, v2  }
0x128: {  	v3 =	vld [tilespmem:$0xD0];
	_ =	sdelay $0x7  }
0x129: {  	[tilespmem:v3+s18+$0x0] =	vst.idx.add.f32.msk $0xffff, v2  }
0x12a: {  	v3 =	vld [tilespmem:$0xE0];
	_ =	sdelay $0x7  }
0x12b: {  	[tilespmem:v3+s18+$0x0] =	vst.idx.add.f32.msk $0xffff, v2  }
0x12c: {  	v3 =	vld [tilespmem:$0xF0];
	_ =	sdelay $0x5  }
0x12d: {  	s20 =	sadd.s32 $0x1, s20  }
0x12e: {  	p0 =	sne.s32 s20, s7  }
.Ltmp2:
0x12f: {  	[tilespmem:v3+s18+$0x0] =	vst.idx.add.f32.msk $0xffff, v2;
	(pc) =	sbr.rel @p0 .LBB2_1-.Ltmp2, $4  }
0x130: {  	[hbm4b:s6+s9] =	stream.strided.scatter [tilespmem:s18], [sflag:$0x2], $0x2000, s19, s9, $0x38;
	[tilespmem:$0xC200] =	vst v63  }
0x131: {  	_ =	swait.ge [sflag:s8], $0x2000  }
0x132: {  	[sflag:s8] =	ssyncset.done $0x0  }
0x133: {  	[sflag:s8] =	ssyncadd.s32 $0xFFFFE000  }
0x134: {  	_ =	sfence.sel $0x180000  }
0x135: {  	[bflag:$0x0] =	sbarrier.arrive $0xFFFF  }
0x136: {  	p0 =	sne.s32 s0, $0x0;
	_ =	strace $0x90000047  }
0x137: {  	s0 =	sadd.s32 @!p0 $0x100000, s1;
	[bflag:$0x2] =	sbarrier.arrive $0xFFFF  }
0x138: {  	[sflag:s0] =	ssyncadd.tile.s32 @!p0 $0x1;
	_ =	shalt  }
.Lfunc_end2:
_tile_overlayer_lowered:
.L_overlay_start_2:
0x139: {  	(tag) =	ssettag $0x2  }
0x13a: {  	s0 =	rddreg [dreg:$0x0];
	s2 =	stileid.u32  }
0x13b: {  	s1 =	rddreg [dreg:$0x1];
	p0 =	sne.s32 s2, $0x0  }
0x13c: {  	s3 =	rddreg [dreg:$0x2];
	[bflag:$0x3] =	sbarrier.arrive $0xFFFF;
	s2 =	simm.s32 @!p0 $0x1C02  }
0x13d: {  	[timem:s3], [sflag:s2] =	dma.local @!p0 [hbm:s0], s1  }
0x13e: {  	s0 =	simm.s32 @!p0 $0x2  }
0x13f: {  	_ =	swait.ge @!p0 [sflag:s0], s1  }
0x140: {  	s1 =	ssub.s32 @!p0 $0x0, s1;
	[sflag:s0] =	ssyncset.done @!p0 $0x0  }
0x141: {  	[sflag:s0] =	ssyncadd.s32 @!p0 s1  }
0x142: {  	[bflag:$0x3] =	sbarrier.arrive $0xFFFF  }
0x143: {  	_ =	shalt  }

</sc_bundles>
